<compile_context>
chip_gen: v7x
topology: tpu7x:2x2x1
jax: 0.10.2.dev20260603
libtpu: 0.0.44.dev20260713+nightly
codegen_flags: <defaults>
</compile_context>

<pallas_src>
import jax
import jax.numpy as jnp
from jax import lax
from jax.experimental import pallas as pl
from jax.experimental.pallas import tpu as pltpu
from jax.experimental.pallas import tpu_sc as plsc

B = 16384
D = 64
NC = 2
NS = 16
L = 16
NW = NC * NS
BPW = B // NW
CHUNK = 128
NCHUNK = BPW // CHUNK


def _fac_body(uid_hbm, mid_hbm, users_hbm, movies_hbm, ub_hbm, mb_hbm,
              out_hbm,
              uidx_v, midx_v, urows_v, mrows_v, ub_v, mb_v, out_v, sem):
    c = lax.axis_index("c")
    s = lax.axis_index("s")
    wid = s * NC + c

    pltpu.sync_copy(uid_hbm.at[wid], uidx_v)
    pltpu.sync_copy(mid_hbm.at[wid], midx_v)

    for j in range(NCHUNK):
        rsl = pl.ds(j * CHUNK, CHUNK)
        pltpu.async_copy(users_hbm.at[uidx_v.at[j]], urows_v.at[rsl], sem).wait()
        pltpu.async_copy(movies_hbm.at[midx_v.at[j]], mrows_v.at[rsl], sem).wait()
        pltpu.async_copy(ub_hbm.at[uidx_v.at[j]], ub_v.at[rsl], sem).wait()
        pltpu.async_copy(mb_hbm.at[midx_v.at[j]], mb_v.at[rsl], sem).wait()

    lane = lax.iota(jnp.int32, L)

    def group(g, carry):
        base = g * L
        outvec = ub_v[pl.ds(base, L)] + mb_v[pl.ds(base, L)]
        for i in range(L):
            r = base + i
            acc = urows_v[r, pl.ds(0, L)] * mrows_v[r, pl.ds(0, L)]
            for k in range(1, D // L):
                acc = acc + urows_v[r, pl.ds(k * L, L)] * mrows_v[r, pl.ds(k * L, L)]
            outvec = jnp.where(lane == i, outvec + jnp.sum(acc), outvec)
        out_v[pl.ds(base, L)] = outvec
        return carry

    lax.fori_loop(0, BPW // L, group, 0)

    pltpu.sync_copy(out_v, out_hbm.at[pl.ds(wid * BPW, BPW)])


def kernel(user_ids, movie_ids, users, movies, user_bias, movie_bias):
    uid = user_ids.astype(jnp.int32).reshape(NW, NCHUNK, CHUNK)
    mid = movie_ids.astype(jnp.int32).reshape(NW, NCHUNK, CHUNK)
    ubf = user_bias.reshape(-1)
    mbf = movie_bias.reshape(-1)

    mesh = plsc.VectorSubcoreMesh(core_axis_name="c", subcore_axis_name="s")
    fn = pl.kernel(
        _fac_body,
        out_type=jax.ShapeDtypeStruct((B,), jnp.float32),
        mesh=mesh,
        compiler_params=pltpu.CompilerParams(
            needs_layout_passes=False, use_tc_tiling_on_sc=False),
        scratch_types=[
            pltpu.VMEM((NCHUNK, CHUNK), jnp.int32),
            pltpu.VMEM((NCHUNK, CHUNK), jnp.int32),
            pltpu.VMEM((BPW, D), jnp.float32),
            pltpu.VMEM((BPW, D), jnp.float32),
            pltpu.VMEM((BPW,), jnp.float32),
            pltpu.VMEM((BPW,), jnp.float32),
            pltpu.VMEM((BPW,), jnp.float32),
            pltpu.SemaphoreType.DMA,
        ],
    )
    return fn(uid, mid, users, movies, ubf, mbf)

# --- scband reference (transcript-rebuilt; emitter-appended) ---
"""Pipeline reference for scband-matrix-factorizer-53395033424174 (READ-ONLY COPY).

The authoritative reference and input builder live on the scoring server;
editing this copy changes nothing except your own understanding.
"""

import jax, jax.numpy as jnp
import numpy as np

NUM_USERS = 1000000
NUM_MOVIES = 100000
MODEL_DIM = 64
BATCH = 16384

def setup_inputs(seed: int = 0) -> dict:
    key = jax.random.key(seed)
    k1, k2, k3, k4, k5, k6 = jax.random.split(key, 6)
    user_ids = jax.random.randint(k1, (BATCH,), 0, NUM_USERS, dtype=jnp.int64) if jax.config.jax_enable_x64 else jax.random.randint(k1, (BATCH,), 0, NUM_USERS, dtype=jnp.int32)
    movie_ids = jax.random.randint(k2, (BATCH,), 0, NUM_MOVIES, dtype=jnp.int32)
    users = jax.random.normal(k3, (NUM_USERS, MODEL_DIM), dtype=jnp.float32)
    movies = jax.random.normal(k4, (NUM_MOVIES, MODEL_DIM), dtype=jnp.float32)
    user_bias = jax.random.normal(k5, (NUM_USERS, 1), dtype=jnp.float32)
    movie_bias = jax.random.normal(k6, (NUM_MOVIES, 1), dtype=jnp.float32)
    return {"user_ids": user_ids, "movie_ids": movie_ids, "users": users, "movies": movies, "user_bias": user_bias, "movie_bias": movie_bias}

def reference(user_ids, movie_ids, users, movies, user_bias, movie_bias):
    user_embeds = jnp.take(users, user_ids, axis=0)        # [B, D]
    movie_embeds = jnp.take(movies, movie_ids, axis=0)      # [B, D]
    # bmm(user.unsqueeze(1), movie.unsqueeze(-1)).squeeze() == per-row dot product
    output = jnp.sum(user_embeds * movie_embeds, axis=-1)    # [B]
    ub = jnp.take(user_bias, user_ids, axis=0).squeeze(-1)   # [B]
    mb = jnp.take(movie_bias, movie_ids, axis=0).squeeze(-1) # [B]
    return output + ub + mb

if __name__ == "__main__":
    import jax
    _d = setup_inputs()
    print(jax.jit(kernel)(*tuple(_d.values())))

</pallas_src>

<mosaic_0001>
#map = affine_map<(d0, d1) -> (0, 0, 0)>
#map1 = affine_map<(d0, d1) -> (0, 0)>
#map2 = affine_map<(d0, d1) -> (0)>
module attributes {stable_mosaic.version = 14 : i64} {
  func.func @_fac_body(%arg0: i32, %arg1: i32, %arg2: memref<32x4x128xi32, #tpu.memory_space<hbm>>, %arg3: memref<32x4x128xi32, #tpu.memory_space<hbm>>, %arg4: memref<1000000x64xf32, #tpu.memory_space<hbm>>, %arg5: memref<100000x64xf32, #tpu.memory_space<hbm>>, %arg6: memref<1000000xf32, #tpu.memory_space<hbm>>, %arg7: memref<100000xf32, #tpu.memory_space<hbm>>, %arg8: memref<16384xf32, #tpu.memory_space<hbm>>, %arg9: memref<4x128xi32, #tpu.memory_space<vmem>>, %arg10: memref<4x128xi32, #tpu.memory_space<vmem>>, %arg11: memref<512x64xf32, #tpu.memory_space<vmem>>, %arg12: memref<512x64xf32, #tpu.memory_space<vmem>>, %arg13: memref<512xf32, #tpu.memory_space<vmem>>, %arg14: memref<512xf32, #tpu.memory_space<vmem>>, %arg15: memref<512xf32, #tpu.memory_space<vmem>>, %arg16: memref<!tpu.dma_semaphore, #tpu.memory_space<semaphore_mem>>) attributes {dimension_semantics = [#tpu.dimension_semantics<core_parallel>, #tpu.dimension_semantics<subcore_parallel>], iteration_bounds = array<i64: 2, 16>, scalar_prefetch = 0 : i64, scratch_operands = 8 : i64, tpu.core_type = #tpu.core_type<sc_vector_subcore>, window_params = [{transform_indices = #map}, {transform_indices = #map}, {transform_indices = #map1}, {transform_indices = #map1}, {transform_indices = #map2}, {transform_indices = #map2}, {transform_indices = #map2}]} {
    %mul3A = arith.constant 2 : i32
    %mul3A_0 = arith.muli %arg1, %mul3A : i32
    %add3A = arith.addi %mul3A_0, %arg0 : i32
    "tpu.region"() ({
      %run_scoped3A = tpu.sem_alloc : memref<!tpu.dma_semaphore, #tpu.memory_space<semaphore_mem>>
      %dma_start3A_294 = arith.constant 0 : i32
      %dma_start3A_295 = arith.constant 0 : i32
      %dma_start3A_296 = tpu.memref_slice %arg2[%add3A, %dma_start3A_294, %dma_start3A_295] : memref<32x4x128xi32, #tpu.memory_space<hbm>> -> memref<1x4x128xi32, #tpu.memory_space<hbm>>
      %dma_start3A_297 = tpu.memref_squeeze %dma_start3A_296 : memref<1x4x128xi32, #tpu.memory_space<hbm>> -> memref<4x128xi32, #tpu.memory_space<hbm>>
      %dma_start3A_298 = arith.constant 0 : i32
      %dma_start3A_299 = arith.constant 0 : i32
      %dma_start3A_300 = tpu.memref_slice %arg2[%add3A, %dma_start3A_298, %dma_start3A_299] : memref<32x4x128xi32, #tpu.memory_space<hbm>> -> memref<1x4x128xi32, #tpu.memory_space<hbm>>
      %dma_start3A_301 = tpu.memref_squeeze %dma_start3A_300 : memref<1x4x128xi32, #tpu.memory_space<hbm>> -> memref<4x128xi32, #tpu.memory_space<hbm>>
      tpu.enqueue_dma source(%dma_start3A_301 : memref<4x128xi32, #tpu.memory_space<hbm>>) target(%arg9 : memref<4x128xi32, #tpu.memory_space<vmem>>) target_semaphore(%run_scoped3A : memref<!tpu.dma_semaphore, #tpu.memory_space<semaphore_mem>>)
      %dma_wait3A_302 = arith.constant 0 : i32
      %dma_wait3A_303 = arith.constant 0 : i32
      %dma_wait3A_304 = tpu.memref_slice %arg2[%add3A, %dma_wait3A_302, %dma_wait3A_303] : memref<32x4x128xi32, #tpu.memory_space<hbm>> -> memref<1x4x128xi32, #tpu.memory_space<hbm>>
      %dma_wait3A_305 = tpu.memref_squeeze %dma_wait3A_304 : memref<1x4x128xi32, #tpu.memory_space<hbm>> -> memref<4x128xi32, #tpu.memory_space<hbm>>
      %dma_wait3A_306 = arith.constant 0 : i32
      %dma_wait3A_307 = arith.constant 0 : i32
      %dma_wait3A_308 = tpu.memref_slice %arg2[%add3A, %dma_wait3A_306, %dma_wait3A_307] : memref<32x4x128xi32, #tpu.memory_space<hbm>> -> memref<1x4x128xi32, #tpu.memory_space<hbm>>
      %dma_wait3A_309 = tpu.memref_squeeze %dma_wait3A_308 : memref<1x4x128xi32, #tpu.memory_space<hbm>> -> memref<4x128xi32, #tpu.memory_space<hbm>>
      tpu.wait_dma2 semaphore(%run_scoped3A : memref<!tpu.dma_semaphore, #tpu.memory_space<semaphore_mem>>) src(%dma_wait3A_309 : memref<4x128xi32, #tpu.memory_space<hbm>>) dst(%arg9 : memref<4x128xi32, #tpu.memory_space<vmem>>)
      tpu.yield
    }) : () -> ()
    "tpu.region"() ({
      %run_scoped3A = tpu.sem_alloc : memref<!tpu.dma_semaphore, #tpu.memory_space<semaphore_mem>>
      %dma_start3A_294 = arith.constant 0 : i32
      %dma_start3A_295 = arith.constant 0 : i32
      %dma_start3A_296 = tpu.memref_slice %arg3[%add3A, %dma_start3A_294, %dma_start3A_295] : memref<32x4x128xi32, #tpu.memory_space<hbm>> -> memref<1x4x128xi32, #tpu.memory_space<hbm>>
      %dma_start3A_297 = tpu.memref_squeeze %dma_start3A_296 : memref<1x4x128xi32, #tpu.memory_space<hbm>> -> memref<4x128xi32, #tpu.memory_space<hbm>>
      %dma_start3A_298 = arith.constant 0 : i32
      %dma_start3A_299 = arith.constant 0 : i32
      %dma_start3A_300 = tpu.memref_slice %arg3[%add3A, %dma_start3A_298, %dma_start3A_299] : memref<32x4x128xi32, #tpu.memory_space<hbm>> -> memref<1x4x128xi32, #tpu.memory_space<hbm>>
      %dma_start3A_301 = tpu.memref_squeeze %dma_start3A_300 : memref<1x4x128xi32, #tpu.memory_space<hbm>> -> memref<4x128xi32, #tpu.memory_space<hbm>>
      tpu.enqueue_dma source(%dma_start3A_301 : memref<4x128xi32, #tpu.memory_space<hbm>>) target(%arg10 : memref<4x128xi32, #tpu.memory_space<vmem>>) target_semaphore(%run_scoped3A : memref<!tpu.dma_semaphore, #tpu.memory_space<semaphore_mem>>)
      %dma_wait3A_302 = arith.constant 0 : i32
      %dma_wait3A_303 = arith.constant 0 : i32
      %dma_wait3A_304 = tpu.memref_slice %arg3[%add3A, %dma_wait3A_302, %dma_wait3A_303] : memref<32x4x128xi32, #tpu.memory_space<hbm>> -> memref<1x4x128xi32, #tpu.memory_space<hbm>>
      %dma_wait3A_305 = tpu.memref_squeeze %dma_wait3A_304 : memref<1x4x128xi32, #tpu.memory_space<hbm>> -> memref<4x128xi32, #tpu.memory_space<hbm>>
      %dma_wait3A_306 = arith.constant 0 : i32
      %dma_wait3A_307 = arith.constant 0 : i32
      %dma_wait3A_308 = tpu.memref_slice %arg3[%add3A, %dma_wait3A_306, %dma_wait3A_307] : memref<32x4x128xi32, #tpu.memory_space<hbm>> -> memref<1x4x128xi32, #tpu.memory_space<hbm>>
      %dma_wait3A_309 = tpu.memref_squeeze %dma_wait3A_308 : memref<1x4x128xi32, #tpu.memory_space<hbm>> -> memref<4x128xi32, #tpu.memory_space<hbm>>
      tpu.wait_dma2 semaphore(%run_scoped3A : memref<!tpu.dma_semaphore, #tpu.memory_space<semaphore_mem>>) src(%dma_wait3A_309 : memref<4x128xi32, #tpu.memory_space<hbm>>) dst(%arg10 : memref<4x128xi32, #tpu.memory_space<vmem>>)
      tpu.yield
    }) : () -> ()
    %dma_start3A = arith.constant 0 : i32
    %dma_start3A_1 = arith.constant 0 : i32
    %dma_start3A_2 = arith.constant 0 : i32
    %dma_start3A_3 = tpu.memref_slice %arg11[%dma_start3A_1, %dma_start3A_2] : memref<512x64xf32, #tpu.memory_space<vmem>> -> memref<128x64xf32, #tpu.memory_space<vmem>>
    %dma_start3A_4 = arith.constant 0 : i32
    %dma_start3A_5 = tpu.memref_slice %arg9[%dma_start3A, %dma_start3A_4] : memref<4x128xi32, #tpu.memory_space<vmem>> -> memref<1x128xi32, #tpu.memory_space<vmem>>
    %dma_start3A_6 = tpu.memref_squeeze %dma_start3A_5 : memref<1x128xi32, #tpu.memory_space<vmem>> -> memref<128xi32, #tpu.memory_space<vmem>>
    %dma_start3A_7 = arith.constant 0 : i32
    %dma_start3A_8 = arith.constant 0 : i32
    %dma_start3A_9 = tpu.memref_slice %arg4[%dma_start3A_7, %dma_start3A_8] : memref<1000000x64xf32, #tpu.memory_space<hbm>> -> memref<1000000x64xf32, #tpu.memory_space<hbm>>
    tpu.enqueue_indirect_dma source(%dma_start3A_9 : memref<1000000x64xf32, #tpu.memory_space<hbm>>) target(%dma_start3A_3 : memref<128x64xf32, #tpu.memory_space<vmem>>) offsets(%dma_start3A_6 : memref<128xi32, #tpu.memory_space<vmem>>) semaphore(%arg16 : memref<!tpu.dma_semaphore, #tpu.memory_space<semaphore_mem>>)
    %dma_wait3A = arith.constant 0 : i32
    %dma_wait3A_10 = arith.constant 0 : i32
    %dma_wait3A_11 = arith.constant 0 : i32
    %dma_wait3A_12 = tpu.memref_slice %arg11[%dma_wait3A_10, %dma_wait3A_11] : memref<512x64xf32, #tpu.memory_space<vmem>> -> memref<128x64xf32, #tpu.memory_space<vmem>>
    %dma_wait3A_13 = arith.constant 0 : i32
    %dma_wait3A_14 = tpu.memref_slice %arg9[%dma_wait3A, %dma_wait3A_13] : memref<4x128xi32, #tpu.memory_space<vmem>> -> memref<1x128xi32, #tpu.memory_space<vmem>>
    %dma_wait3A_15 = tpu.memref_squeeze %dma_wait3A_14 : memref<1x128xi32, #tpu.memory_space<vmem>> -> memref<128xi32, #tpu.memory_space<vmem>>
    %dma_wait3A_16 = arith.constant 0 : i32
    %dma_wait3A_17 = arith.constant 0 : i32
    %dma_wait3A_18 = tpu.memref_slice %arg4[%dma_wait3A_16, %dma_wait3A_17] : memref<1000000x64xf32, #tpu.memory_space<hbm>> -> memref<1000000x64xf32, #tpu.memory_space<hbm>>
    tpu.wait_indirect_dma semaphore(%arg16 : memref<!tpu.dma_semaphore, #tpu.memory_space<semaphore_mem>>) src(%dma_wait3A_18 : memref<1000000x64xf32, #tpu.memory_space<hbm>>) dst(%dma_wait3A_12 : memref<128x64xf32, #tpu.memory_space<vmem>>)
    %dma_start3A_19 = arith.constant 0 : i32
    %dma_start3A_20 = arith.constant 0 : i32
    %dma_start3A_21 = arith.constant 0 : i32
    %dma_start3A_22 = tpu.memref_slice %arg12[%dma_start3A_20, %dma_start3A_21] : memref<512x64xf32, #tpu.memory_space<vmem>> -> memref<128x64xf32, #tpu.memory_space<vmem>>
    %dma_start3A_23 = arith.constant 0 : i32
    %dma_start3A_24 = tpu.memref_slice %arg10[%dma_start3A_19, %dma_start3A_23] : memref<4x128xi32, #tpu.memory_space<vmem>> -> memref<1x128xi32, #tpu.memory_space<vmem>>
    %dma_start3A_25 = tpu.memref_squeeze %dma_start3A_24 : memref<1x128xi32, #tpu.memory_space<vmem>> -> memref<128xi32, #tpu.memory_space<vmem>>
    %dma_start3A_26 = arith.constant 0 : i32
    %dma_start3A_27 = arith.constant 0 : i32
    %dma_start3A_28 = tpu.memref_slice %arg5[%dma_start3A_26, %dma_start3A_27] : memref<100000x64xf32, #tpu.memory_space<hbm>> -> memref<100000x64xf32, #tpu.memory_space<hbm>>
    tpu.enqueue_indirect_dma source(%dma_start3A_28 : memref<100000x64xf32, #tpu.memory_space<hbm>>) target(%dma_start3A_22 : memref<128x64xf32, #tpu.memory_space<vmem>>) offsets(%dma_start3A_25 : memref<128xi32, #tpu.memory_space<vmem>>) semaphore(%arg16 : memref<!tpu.dma_semaphore, #tpu.memory_space<semaphore_mem>>)
    %dma_wait3A_29 = arith.constant 0 : i32
    %dma_wait3A_30 = arith.constant 0 : i32
    %dma_wait3A_31 = arith.constant 0 : i32
    %dma_wait3A_32 = tpu.memref_slice %arg12[%dma_wait3A_30, %dma_wait3A_31] : memref<512x64xf32, #tpu.memory_space<vmem>> -> memref<128x64xf32, #tpu.memory_space<vmem>>
    %dma_wait3A_33 = arith.constant 0 : i32
    %dma_wait3A_34 = tpu.memref_slice %arg10[%dma_wait3A_29, %dma_wait3A_33] : memref<4x128xi32, #tpu.memory_space<vmem>> -> memref<1x128xi32, #tpu.memory_space<vmem>>
    %dma_wait3A_35 = tpu.memref_squeeze %dma_wait3A_34 : memref<1x128xi32, #tpu.memory_space<vmem>> -> memref<128xi32, #tpu.memory_space<vmem>>
    %dma_wait3A_36 = arith.constant 0 : i32
    %dma_wait3A_37 = arith.constant 0 : i32
    %dma_wait3A_38 = tpu.memref_slice %arg5[%dma_wait3A_36, %dma_wait3A_37] : memref<100000x64xf32, #tpu.memory_space<hbm>> -> memref<100000x64xf32, #tpu.memory_space<hbm>>
    tpu.wait_indirect_dma semaphore(%arg16 : memref<!tpu.dma_semaphore, #tpu.memory_space<semaphore_mem>>) src(%dma_wait3A_38 : memref<100000x64xf32, #tpu.memory_space<hbm>>) dst(%dma_wait3A_32 : memref<128x64xf32, #tpu.memory_space<vmem>>)
    %dma_start3A_39 = arith.constant 0 : i32
    %dma_start3A_40 = arith.constant 0 : i32
    %dma_start3A_41 = tpu.memref_slice %arg13[%dma_start3A_40] : memref<512xf32, #tpu.memory_space<vmem>> -> memref<128xf32, #tpu.memory_space<vmem>>
    %dma_start3A_42 = arith.constant 0 : i32
    %dma_start3A_43 = tpu.memref_slice %arg9[%dma_start3A_39, %dma_start3A_42] : memref<4x128xi32, #tpu.memory_space<vmem>> -> memref<1x128xi32, #tpu.memory_space<vmem>>
    %dma_start3A_44 = tpu.memref_squeeze %dma_start3A_43 : memref<1x128xi32, #tpu.memory_space<vmem>> -> memref<128xi32, #tpu.memory_space<vmem>>
    %dma_start3A_45 = arith.constant 0 : i32
    %dma_start3A_46 = tpu.memref_slice %arg6[%dma_start3A_45] : memref<1000000xf32, #tpu.memory_space<hbm>> -> memref<1000000xf32, #tpu.memory_space<hbm>>
    tpu.enqueue_indirect_dma source(%dma_start3A_46 : memref<1000000xf32, #tpu.memory_space<hbm>>) target(%dma_start3A_41 : memref<128xf32, #tpu.memory_space<vmem>>) offsets(%dma_start3A_44 : memref<128xi32, #tpu.memory_space<vmem>>) semaphore(%arg16 : memref<!tpu.dma_semaphore, #tpu.memory_space<semaphore_mem>>)
    %dma_wait3A_47 = arith.constant 0 : i32
    %dma_wait3A_48 = arith.constant 0 : i32
    %dma_wait3A_49 = tpu.memref_slice %arg13[%dma_wait3A_48] : memref<512xf32, #tpu.memory_space<vmem>> -> memref<128xf32, #tpu.memory_space<vmem>>
    %dma_wait3A_50 = arith.constant 0 : i32
    %dma_wait3A_51 = tpu.memref_slice %arg9[%dma_wait3A_47, %dma_wait3A_50] : memref<4x128xi32, #tpu.memory_space<vmem>> -> memref<1x128xi32, #tpu.memory_space<vmem>>
    %dma_wait3A_52 = tpu.memref_squeeze %dma_wait3A_51 : memref<1x128xi32, #tpu.memory_space<vmem>> -> memref<128xi32, #tpu.memory_space<vmem>>
    %dma_wait3A_53 = arith.constant 0 : i32
    %dma_wait3A_54 = tpu.memref_slice %arg6[%dma_wait3A_53] : memref<1000000xf32, #tpu.memory_space<hbm>> -> memref<1000000xf32, #tpu.memory_space<hbm>>
    tpu.wait_indirect_dma semaphore(%arg16 : memref<!tpu.dma_semaphore, #tpu.memory_space<semaphore_mem>>) src(%dma_wait3A_54 : memref<1000000xf32, #tpu.memory_space<hbm>>) dst(%dma_wait3A_49 : memref<128xf32, #tpu.memory_space<vmem>>)
    %dma_start3A_55 = arith.constant 0 : i32
    %dma_start3A_56 = arith.constant 0 : i32
    %dma_start3A_57 = tpu.memref_slice %arg14[%dma_start3A_56] : memref<512xf32, #tpu.memory_space<vmem>> -> memref<128xf32, #tpu.memory_space<vmem>>
    %dma_start3A_58 = arith.constant 0 : i32
    %dma_start3A_59 = tpu.memref_slice %arg10[%dma_start3A_55, %dma_start3A_58] : memref<4x128xi32, #tpu.memory_space<vmem>> -> memref<1x128xi32, #tpu.memory_space<vmem>>
    %dma_start3A_60 = tpu.memref_squeeze %dma_start3A_59 : memref<1x128xi32, #tpu.memory_space<vmem>> -> memref<128xi32, #tpu.memory_space<vmem>>
    %dma_start3A_61 = arith.constant 0 : i32
    %dma_start3A_62 = tpu.memref_slice %arg7[%dma_start3A_61] : memref<100000xf32, #tpu.memory_space<hbm>> -> memref<100000xf32, #tpu.memory_space<hbm>>
    tpu.enqueue_indirect_dma source(%dma_start3A_62 : memref<100000xf32, #tpu.memory_space<hbm>>) target(%dma_start3A_57 : memref<128xf32, #tpu.memory_space<vmem>>) offsets(%dma_start3A_60 : memref<128xi32, #tpu.memory_space<vmem>>) semaphore(%arg16 : memref<!tpu.dma_semaphore, #tpu.memory_space<semaphore_mem>>)
    %dma_wait3A_63 = arith.constant 0 : i32
    %dma_wait3A_64 = arith.constant 0 : i32
    %dma_wait3A_65 = tpu.memref_slice %arg14[%dma_wait3A_64] : memref<512xf32, #tpu.memory_space<vmem>> -> memref<128xf32, #tpu.memory_space<vmem>>
    %dma_wait3A_66 = arith.constant 0 : i32
    %dma_wait3A_67 = tpu.memref_slice %arg10[%dma_wait3A_63, %dma_wait3A_66] : memref<4x128xi32, #tpu.memory_space<vmem>> -> memref<1x128xi32, #tpu.memory_space<vmem>>
    %dma_wait3A_68 = tpu.memref_squeeze %dma_wait3A_67 : memref<1x128xi32, #tpu.memory_space<vmem>> -> memref<128xi32, #tpu.memory_space<vmem>>
    %dma_wait3A_69 = arith.constant 0 : i32
    %dma_wait3A_70 = tpu.memref_slice %arg7[%dma_wait3A_69] : memref<100000xf32, #tpu.memory_space<hbm>> -> memref<100000xf32, #tpu.memory_space<hbm>>
    tpu.wait_indirect_dma semaphore(%arg16 : memref<!tpu.dma_semaphore, #tpu.memory_space<semaphore_mem>>) src(%dma_wait3A_70 : memref<100000xf32, #tpu.memory_space<hbm>>) dst(%dma_wait3A_65 : memref<128xf32, #tpu.memory_space<vmem>>)
    %dma_start3A_71 = arith.constant 1 : i32
    %dma_start3A_72 = arith.constant 128 : i32
    %dma_start3A_73 = arith.constant 0 : i32
    %dma_start3A_74 = tpu.memref_slice %arg11[%dma_start3A_72, %dma_start3A_73] : memref<512x64xf32, #tpu.memory_space<vmem>> -> memref<128x64xf32, #tpu.memory_space<vmem>>
    %dma_start3A_75 = arith.constant 0 : i32
    %dma_start3A_76 = tpu.memref_slice %arg9[%dma_start3A_71, %dma_start3A_75] : memref<4x128xi32, #tpu.memory_space<vmem>> -> memref<1x128xi32, #tpu.memory_space<vmem>>
    %dma_start3A_77 = tpu.memref_squeeze %dma_start3A_76 : memref<1x128xi32, #tpu.memory_space<vmem>> -> memref<128xi32, #tpu.memory_space<vmem>>
    %dma_start3A_78 = arith.constant 0 : i32
    %dma_start3A_79 = arith.constant 0 : i32
    %dma_start3A_80 = tpu.memref_slice %arg4[%dma_start3A_78, %dma_start3A_79] : memref<1000000x64xf32, #tpu.memory_space<hbm>> -> memref<1000000x64xf32, #tpu.memory_space<hbm>>
    tpu.enqueue_indirect_dma source(%dma_start3A_80 : memref<1000000x64xf32, #tpu.memory_space<hbm>>) target(%dma_start3A_74 : memref<128x64xf32, #tpu.memory_space<vmem>>) offsets(%dma_start3A_77 : memref<128xi32, #tpu.memory_space<vmem>>) semaphore(%arg16 : memref<!tpu.dma_semaphore, #tpu.memory_space<semaphore_mem>>)
    %dma_wait3A_81 = arith.constant 1 : i32
    %dma_wait3A_82 = arith.constant 128 : i32
    %dma_wait3A_83 = arith.constant 0 : i32
    %dma_wait3A_84 = tpu.memref_slice %arg11[%dma_wait3A_82, %dma_wait3A_83] : memref<512x64xf32, #tpu.memory_space<vmem>> -> memref<128x64xf32, #tpu.memory_space<vmem>>
    %dma_wait3A_85 = arith.constant 0 : i32
    %dma_wait3A_86 = tpu.memref_slice %arg9[%dma_wait3A_81, %dma_wait3A_85] : memref<4x128xi32, #tpu.memory_space<vmem>> -> memref<1x128xi32, #tpu.memory_space<vmem>>
    %dma_wait3A_87 = tpu.memref_squeeze %dma_wait3A_86 : memref<1x128xi32, #tpu.memory_space<vmem>> -> memref<128xi32, #tpu.memory_space<vmem>>
    %dma_wait3A_88 = arith.constant 0 : i32
    %dma_wait3A_89 = arith.constant 0 : i32
    %dma_wait3A_90 = tpu.memref_slice %arg4[%dma_wait3A_88, %dma_wait3A_89] : memref<1000000x64xf32, #tpu.memory_space<hbm>> -> memref<1000000x64xf32, #tpu.memory_space<hbm>>
    tpu.wait_indirect_dma semaphore(%arg16 : memref<!tpu.dma_semaphore, #tpu.memory_space<semaphore_mem>>) src(%dma_wait3A_90 : memref<1000000x64xf32, #tpu.memory_space<hbm>>) dst(%dma_wait3A_84 : memref<128x64xf32, #tpu.memory_space<vmem>>)
    %dma_start3A_91 = arith.constant 1 : i32
    %dma_start3A_92 = arith.constant 128 : i32
    %dma_start3A_93 = arith.constant 0 : i32
    %dma_start3A_94 = tpu.memref_slice %arg12[%dma_start3A_92, %dma_start3A_93] : memref<512x64xf32, #tpu.memory_space<vmem>> -> memref<128x64xf32, #tpu.memory_space<vmem>>
    %dma_start3A_95 = arith.constant 0 : i32
    %dma_start3A_96 = tpu.memref_slice %arg10[%dma_start3A_91, %dma_start3A_95] : memref<4x128xi32, #tpu.memory_space<vmem>> -> memref<1x128xi32, #tpu.memory_space<vmem>>
    %dma_start3A_97 = tpu.memref_squeeze %dma_start3A_96 : memref<1x128xi32, #tpu.memory_space<vmem>> -> memref<128xi32, #tpu.memory_space<vmem>>
    %dma_start3A_98 = arith.constant 0 : i32
    %dma_start3A_99 = arith.constant 0 : i32
    %dma_start3A_100 = tpu.memref_slice %arg5[%dma_start3A_98, %dma_start3A_99] : memref<100000x64xf32, #tpu.memory_space<hbm>> -> memref<100000x64xf32, #tpu.memory_space<hbm>>
    tpu.enqueue_indirect_dma source(%dma_start3A_100 : memref<100000x64xf32, #tpu.memory_space<hbm>>) target(%dma_start3A_94 : memref<128x64xf32, #tpu.memory_space<vmem>>) offsets(%dma_start3A_97 : memref<128xi32, #tpu.memory_space<vmem>>) semaphore(%arg16 : memref<!tpu.dma_semaphore, #tpu.memory_space<semaphore_mem>>)
    %dma_wait3A_101 = arith.constant 1 : i32
    %dma_wait3A_102 = arith.constant 128 : i32
    %dma_wait3A_103 = arith.constant 0 : i32
    %dma_wait3A_104 = tpu.memref_slice %arg12[%dma_wait3A_102, %dma_wait3A_103] : memref<512x64xf32, #tpu.memory_space<vmem>> -> memref<128x64xf32, #tpu.memory_space<vmem>>
    %dma_wait3A_105 = arith.constant 0 : i32
    %dma_wait3A_106 = tpu.memref_slice %arg10[%dma_wait3A_101, %dma_wait3A_105] : memref<4x128xi32, #tpu.memory_space<vmem>> -> memref<1x128xi32, #tpu.memory_space<vmem>>
    %dma_wait3A_107 = tpu.memref_squeeze %dma_wait3A_106 : memref<1x128xi32, #tpu.memory_space<vmem>> -> memref<128xi32, #tpu.memory_space<vmem>>
    %dma_wait3A_108 = arith.constant 0 : i32
    %dma_wait3A_109 = arith.constant 0 : i32
    %dma_wait3A_110 = tpu.memref_slice %arg5[%dma_wait3A_108, %dma_wait3A_109] : memref<100000x64xf32, #tpu.memory_space<hbm>> -> memref<100000x64xf32, #tpu.memory_space<hbm>>
    tpu.wait_indirect_dma semaphore(%arg16 : memref<!tpu.dma_semaphore, #tpu.memory_space<semaphore_mem>>) src(%dma_wait3A_110 : memref<100000x64xf32, #tpu.memory_space<hbm>>) dst(%dma_wait3A_104 : memref<128x64xf32, #tpu.memory_space<vmem>>)
    %dma_start3A_111 = arith.constant 1 : i32
    %dma_start3A_112 = arith.constant 128 : i32
    %dma_start3A_113 = tpu.memref_slice %arg13[%dma_start3A_112] : memref<512xf32, #tpu.memory_space<vmem>> -> memref<128xf32, #tpu.memory_space<vmem>>
    %dma_start3A_114 = arith.constant 0 : i32
    %dma_start3A_115 = tpu.memref_slice %arg9[%dma_start3A_111, %dma_start3A_114] : memref<4x128xi32, #tpu.memory_space<vmem>> -> memref<1x128xi32, #tpu.memory_space<vmem>>
    %dma_start3A_116 = tpu.memref_squeeze %dma_start3A_115 : memref<1x128xi32, #tpu.memory_space<vmem>> -> memref<128xi32, #tpu.memory_space<vmem>>
    %dma_start3A_117 = arith.constant 0 : i32
    %dma_start3A_118 = tpu.memref_slice %arg6[%dma_start3A_117] : memref<1000000xf32, #tpu.memory_space<hbm>> -> memref<1000000xf32, #tpu.memory_space<hbm>>
    tpu.enqueue_indirect_dma source(%dma_start3A_118 : memref<1000000xf32, #tpu.memory_space<hbm>>) target(%dma_start3A_113 : memref<128xf32, #tpu.memory_space<vmem>>) offsets(%dma_start3A_116 : memref<128xi32, #tpu.memory_space<vmem>>) semaphore(%arg16 : memref<!tpu.dma_semaphore, #tpu.memory_space<semaphore_mem>>)
    %dma_wait3A_119 = arith.constant 1 : i32
    %dma_wait3A_120 = arith.constant 128 : i32
    %dma_wait3A_121 = tpu.memref_slice %arg13[%dma_wait3A_120] : memref<512xf32, #tpu.memory_space<vmem>> -> memref<128xf32, #tpu.memory_space<vmem>>
    %dma_wait3A_122 = arith.constant 0 : i32
    %dma_wait3A_123 = tpu.memref_slice %arg9[%dma_wait3A_119, %dma_wait3A_122] : memref<4x128xi32, #tpu.memory_space<vmem>> -> memref<1x128xi32, #tpu.memory_space<vmem>>
    %dma_wait3A_124 = tpu.memref_squeeze %dma_wait3A_123 : memref<1x128xi32, #tpu.memory_space<vmem>> -> memref<128xi32, #tpu.memory_space<vmem>>
    %dma_wait3A_125 = arith.constant 0 : i32
    %dma_wait3A_126 = tpu.memref_slice %arg6[%dma_wait3A_125] : memref<1000000xf32, #tpu.memory_space<hbm>> -> memref<1000000xf32, #tpu.memory_space<hbm>>
    tpu.wait_indirect_dma semaphore(%arg16 : memref<!tpu.dma_semaphore, #tpu.memory_space<semaphore_mem>>) src(%dma_wait3A_126 : memref<1000000xf32, #tpu.memory_space<hbm>>) dst(%dma_wait3A_121 : memref<128xf32, #tpu.memory_space<vmem>>)
    %dma_start3A_127 = arith.constant 1 : i32
    %dma_start3A_128 = arith.constant 128 : i32
    %dma_start3A_129 = tpu.memref_slice %arg14[%dma_start3A_128] : memref<512xf32, #tpu.memory_space<vmem>> -> memref<128xf32, #tpu.memory_space<vmem>>
    %dma_start3A_130 = arith.constant 0 : i32
    %dma_start3A_131 = tpu.memref_slice %arg10[%dma_start3A_127, %dma_start3A_130] : memref<4x128xi32, #tpu.memory_space<vmem>> -> memref<1x128xi32, #tpu.memory_space<vmem>>
    %dma_start3A_132 = tpu.memref_squeeze %dma_start3A_131 : memref<1x128xi32, #tpu.memory_space<vmem>> -> memref<128xi32, #tpu.memory_space<vmem>>
    %dma_start3A_133 = arith.constant 0 : i32
    %dma_start3A_134 = tpu.memref_slice %arg7[%dma_start3A_133] : memref<100000xf32, #tpu.memory_space<hbm>> -> memref<100000xf32, #tpu.memory_space<hbm>>
    tpu.enqueue_indirect_dma source(%dma_start3A_134 : memref<100000xf32, #tpu.memory_space<hbm>>) target(%dma_start3A_129 : memref<128xf32, #tpu.memory_space<vmem>>) offsets(%dma_start3A_132 : memref<128xi32, #tpu.memory_space<vmem>>) semaphore(%arg16 : memref<!tpu.dma_semaphore, #tpu.memory_space<semaphore_mem>>)
    %dma_wait3A_135 = arith.constant 1 : i32
    %dma_wait3A_136 = arith.constant 128 : i32
    %dma_wait3A_137 = tpu.memref_slice %arg14[%dma_wait3A_136] : memref<512xf32, #tpu.memory_space<vmem>> -> memref<128xf32, #tpu.memory_space<vmem>>
    %dma_wait3A_138 = arith.constant 0 : i32
    %dma_wait3A_139 = tpu.memref_slice %arg10[%dma_wait3A_135, %dma_wait3A_138] : memref<4x128xi32, #tpu.memory_space<vmem>> -> memref<1x128xi32, #tpu.memory_space<vmem>>
    %dma_wait3A_140 = tpu.memref_squeeze %dma_wait3A_139 : memref<1x128xi32, #tpu.memory_space<vmem>> -> memref<128xi32, #tpu.memory_space<vmem>>
    %dma_wait3A_141 = arith.constant 0 : i32
    %dma_wait3A_142 = tpu.memref_slice %arg7[%dma_wait3A_141] : memref<100000xf32, #tpu.memory_space<hbm>> -> memref<100000xf32, #tpu.memory_space<hbm>>
    tpu.wait_indirect_dma semaphore(%arg16 : memref<!tpu.dma_semaphore, #tpu.memory_space<semaphore_mem>>) src(%dma_wait3A_142 : memref<100000xf32, #tpu.memory_space<hbm>>) dst(%dma_wait3A_137 : memref<128xf32, #tpu.memory_space<vmem>>)
    %dma_start3A_143 = arith.constant 2 : i32
    %dma_start3A_144 = arith.constant 256 : i32
    %dma_start3A_145 = arith.constant 0 : i32
    %dma_start3A_146 = tpu.memref_slice %arg11[%dma_start3A_144, %dma_start3A_145] : memref<512x64xf32, #tpu.memory_space<vmem>> -> memref<128x64xf32, #tpu.memory_space<vmem>>
    %dma_start3A_147 = arith.constant 0 : i32
    %dma_start3A_148 = tpu.memref_slice %arg9[%dma_start3A_143, %dma_start3A_147] : memref<4x128xi32, #tpu.memory_space<vmem>> -> memref<1x128xi32, #tpu.memory_space<vmem>>
    %dma_start3A_149 = tpu.memref_squeeze %dma_start3A_148 : memref<1x128xi32, #tpu.memory_space<vmem>> -> memref<128xi32, #tpu.memory_space<vmem>>
    %dma_start3A_150 = arith.constant 0 : i32
    %dma_start3A_151 = arith.constant 0 : i32
    %dma_start3A_152 = tpu.memref_slice %arg4[%dma_start3A_150, %dma_start3A_151] : memref<1000000x64xf32, #tpu.memory_space<hbm>> -> memref<1000000x64xf32, #tpu.memory_space<hbm>>
    tpu.enqueue_indirect_dma source(%dma_start3A_152 : memref<1000000x64xf32, #tpu.memory_space<hbm>>) target(%dma_start3A_146 : memref<128x64xf32, #tpu.memory_space<vmem>>) offsets(%dma_start3A_149 : memref<128xi32, #tpu.memory_space<vmem>>) semaphore(%arg16 : memref<!tpu.dma_semaphore, #tpu.memory_space<semaphore_mem>>)
    %dma_wait3A_153 = arith.constant 2 : i32
    %dma_wait3A_154 = arith.constant 256 : i32
    %dma_wait3A_155 = arith.constant 0 : i32
    %dma_wait3A_156 = tpu.memref_slice %arg11[%dma_wait3A_154, %dma_wait3A_155] : memref<512x64xf32, #tpu.memory_space<vmem>> -> memref<128x64xf32, #tpu.memory_space<vmem>>
    %dma_wait3A_157 = arith.constant 0 : i32
    %dma_wait3A_158 = tpu.memref_slice %arg9[%dma_wait3A_153, %dma_wait3A_157] : memref<4x128xi32, #tpu.memory_space<vmem>> -> memref<1x128xi32, #tpu.memory_space<vmem>>
    %dma_wait3A_159 = tpu.memref_squeeze %dma_wait3A_158 : memref<1x128xi32, #tpu.memory_space<vmem>> -> memref<128xi32, #tpu.memory_space<vmem>>
    %dma_wait3A_160 = arith.constant 0 : i32
    %dma_wait3A_161 = arith.constant 0 : i32
    %dma_wait3A_162 = tpu.memref_slice %arg4[%dma_wait3A_160, %dma_wait3A_161] : memref<1000000x64xf32, #tpu.memory_space<hbm>> -> memref<1000000x64xf32, #tpu.memory_space<hbm>>
    tpu.wait_indirect_dma semaphore(%arg16 : memref<!tpu.dma_semaphore, #tpu.memory_space<semaphore_mem>>) src(%dma_wait3A_162 : memref<1000000x64xf32, #tpu.memory_space<hbm>>) dst(%dma_wait3A_156 : memref<128x64xf32, #tpu.memory_space<vmem>>)
    %dma_start3A_163 = arith.constant 2 : i32
    %dma_start3A_164 = arith.constant 256 : i32
    %dma_start3A_165 = arith.constant 0 : i32
    %dma_start3A_166 = tpu.memref_slice %arg12[%dma_start3A_164, %dma_start3A_165] : memref<512x64xf32, #tpu.memory_space<vmem>> -> memref<128x64xf32, #tpu.memory_space<vmem>>
    %dma_start3A_167 = arith.constant 0 : i32
    %dma_start3A_168 = tpu.memref_slice %arg10[%dma_start3A_163, %dma_start3A_167] : memref<4x128xi32, #tpu.memory_space<vmem>> -> memref<1x128xi32, #tpu.memory_space<vmem>>
    %dma_start3A_169 = tpu.memref_squeeze %dma_start3A_168 : memref<1x128xi32, #tpu.memory_space<vmem>> -> memref<128xi32, #tpu.memory_space<vmem>>
    %dma_start3A_170 = arith.constant 0 : i32
    %dma_start3A_171 = arith.constant 0 : i32
    %dma_start3A_172 = tpu.memref_slice %arg5[%dma_start3A_170, %dma_start3A_171] : memref<100000x64xf32, #tpu.memory_space<hbm>> -> memref<100000x64xf32, #tpu.memory_space<hbm>>
    tpu.enqueue_indirect_dma source(%dma_start3A_172 : memref<100000x64xf32, #tpu.memory_space<hbm>>) target(%dma_start3A_166 : memref<128x64xf32, #tpu.memory_space<vmem>>) offsets(%dma_start3A_169 : memref<128xi32, #tpu.memory_space<vmem>>) semaphore(%arg16 : memref<!tpu.dma_semaphore, #tpu.memory_space<semaphore_mem>>)
    %dma_wait3A_173 = arith.constant 2 : i32
    %dma_wait3A_174 = arith.constant 256 : i32
    %dma_wait3A_175 = arith.constant 0 : i32
    %dma_wait3A_176 = tpu.memref_slice %arg12[%dma_wait3A_174, %dma_wait3A_175] : memref<512x64xf32, #tpu.memory_space<vmem>> -> memref<128x64xf32, #tpu.memory_space<vmem>>
    %dma_wait3A_177 = arith.constant 0 : i32
    %dma_wait3A_178 = tpu.memref_slice %arg10[%dma_wait3A_173, %dma_wait3A_177] : memref<4x128xi32, #tpu.memory_space<vmem>> -> memref<1x128xi32, #tpu.memory_space<vmem>>
    %dma_wait3A_179 = tpu.memref_squeeze %dma_wait3A_178 : memref<1x128xi32, #tpu.memory_space<vmem>> -> memref<128xi32, #tpu.memory_space<vmem>>
    %dma_wait3A_180 = arith.constant 0 : i32
    %dma_wait3A_181 = arith.constant 0 : i32
    %dma_wait3A_182 = tpu.memref_slice %arg5[%dma_wait3A_180, %dma_wait3A_181] : memref<100000x64xf32, #tpu.memory_space<hbm>> -> memref<100000x64xf32, #tpu.memory_space<hbm>>
    tpu.wait_indirect_dma semaphore(%arg16 : memref<!tpu.dma_semaphore, #tpu.memory_space<semaphore_mem>>) src(%dma_wait3A_182 : memref<100000x64xf32, #tpu.memory_space<hbm>>) dst(%dma_wait3A_176 : memref<128x64xf32, #tpu.memory_space<vmem>>)
    %dma_start3A_183 = arith.constant 2 : i32
    %dma_start3A_184 = arith.constant 256 : i32
    %dma_start3A_185 = tpu.memref_slice %arg13[%dma_start3A_184] : memref<512xf32, #tpu.memory_space<vmem>> -> memref<128xf32, #tpu.memory_space<vmem>>
    %dma_start3A_186 = arith.constant 0 : i32
    %dma_start3A_187 = tpu.memref_slice %arg9[%dma_start3A_183, %dma_start3A_186] : memref<4x128xi32, #tpu.memory_space<vmem>> -> memref<1x128xi32, #tpu.memory_space<vmem>>
    %dma_start3A_188 = tpu.memref_squeeze %dma_start3A_187 : memref<1x128xi32, #tpu.memory_space<vmem>> -> memref<128xi32, #tpu.memory_space<vmem>>
    %dma_start3A_189 = arith.constant 0 : i32
    %dma_start3A_190 = tpu.memref_slice %arg6[%dma_start3A_189] : memref<1000000xf32, #tpu.memory_space<hbm>> -> memref<1000000xf32, #tpu.memory_space<hbm>>
    tpu.enqueue_indirect_dma source(%dma_start3A_190 : memref<1000000xf32, #tpu.memory_space<hbm>>) target(%dma_start3A_185 : memref<128xf32, #tpu.memory_space<vmem>>) offsets(%dma_start3A_188 : memref<128xi32, #tpu.memory_space<vmem>>) semaphore(%arg16 : memref<!tpu.dma_semaphore, #tpu.memory_space<semaphore_mem>>)
    %dma_wait3A_191 = arith.constant 2 : i32
    %dma_wait3A_192 = arith.constant 256 : i32
    %dma_wait3A_193 = tpu.memref_slice %arg13[%dma_wait3A_192] : memref<512xf32, #tpu.memory_space<vmem>> -> memref<128xf32, #tpu.memory_space<vmem>>
    %dma_wait3A_194 = arith.constant 0 : i32
    %dma_wait3A_195 = tpu.memref_slice %arg9[%dma_wait3A_191, %dma_wait3A_194] : memref<4x128xi32, #tpu.memory_space<vmem>> -> memref<1x128xi32, #tpu.memory_space<vmem>>
    %dma_wait3A_196 = tpu.memref_squeeze %dma_wait3A_195 : memref<1x128xi32, #tpu.memory_space<vmem>> -> memref<128xi32, #tpu.memory_space<vmem>>
    %dma_wait3A_197 = arith.constant 0 : i32
    %dma_wait3A_198 = tpu.memref_slice %arg6[%dma_wait3A_197] : memref<1000000xf32, #tpu.memory_space<hbm>> -> memref<1000000xf32, #tpu.memory_space<hbm>>
    tpu.wait_indirect_dma semaphore(%arg16 : memref<!tpu.dma_semaphore, #tpu.memory_space<semaphore_mem>>) src(%dma_wait3A_198 : memref<1000000xf32, #tpu.memory_space<hbm>>) dst(%dma_wait3A_193 : memref<128xf32, #tpu.memory_space<vmem>>)
    %dma_start3A_199 = arith.constant 2 : i32
    %dma_start3A_200 = arith.constant 256 : i32
    %dma_start3A_201 = tpu.memref_slice %arg14[%dma_start3A_200] : memref<512xf32, #tpu.memory_space<vmem>> -> memref<128xf32, #tpu.memory_space<vmem>>
    %dma_start3A_202 = arith.constant 0 : i32
    %dma_start3A_203 = tpu.memref_slice %arg10[%dma_start3A_199, %dma_start3A_202] : memref<4x128xi32, #tpu.memory_space<vmem>> -> memref<1x128xi32, #tpu.memory_space<vmem>>
    %dma_start3A_204 = tpu.memref_squeeze %dma_start3A_203 : memref<1x128xi32, #tpu.memory_space<vmem>> -> memref<128xi32, #tpu.memory_space<vmem>>
    %dma_start3A_205 = arith.constant 0 : i32
    %dma_start3A_206 = tpu.memref_slice %arg7[%dma_start3A_205] : memref<100000xf32, #tpu.memory_space<hbm>> -> memref<100000xf32, #tpu.memory_space<hbm>>
    tpu.enqueue_indirect_dma source(%dma_start3A_206 : memref<100000xf32, #tpu.memory_space<hbm>>) target(%dma_start3A_201 : memref<128xf32, #tpu.memory_space<vmem>>) offsets(%dma_start3A_204 : memref<128xi32, #tpu.memory_space<vmem>>) semaphore(%arg16 : memref<!tpu.dma_semaphore, #tpu.memory_space<semaphore_mem>>)
    %dma_wait3A_207 = arith.constant 2 : i32
    %dma_wait3A_208 = arith.constant 256 : i32
    %dma_wait3A_209 = tpu.memref_slice %arg14[%dma_wait3A_208] : memref<512xf32, #tpu.memory_space<vmem>> -> memref<128xf32, #tpu.memory_space<vmem>>
    %dma_wait3A_210 = arith.constant 0 : i32
    %dma_wait3A_211 = tpu.memref_slice %arg10[%dma_wait3A_207, %dma_wait3A_210] : memref<4x128xi32, #tpu.memory_space<vmem>> -> memref<1x128xi32, #tpu.memory_space<vmem>>
    %dma_wait3A_212 = tpu.memref_squeeze %dma_wait3A_211 : memref<1x128xi32, #tpu.memory_space<vmem>> -> memref<128xi32, #tpu.memory_space<vmem>>
    %dma_wait3A_213 = arith.constant 0 : i32
    %dma_wait3A_214 = tpu.memref_slice %arg7[%dma_wait3A_213] : memref<100000xf32, #tpu.memory_space<hbm>> -> memref<100000xf32, #tpu.memory_space<hbm>>
    tpu.wait_indirect_dma semaphore(%arg16 : memref<!tpu.dma_semaphore, #tpu.memory_space<semaphore_mem>>) src(%dma_wait3A_214 : memref<100000xf32, #tpu.memory_space<hbm>>) dst(%dma_wait3A_209 : memref<128xf32, #tpu.memory_space<vmem>>)
    %dma_start3A_215 = arith.constant 3 : i32
    %dma_start3A_216 = arith.constant 384 : i32
    %dma_start3A_217 = arith.constant 0 : i32
    %dma_start3A_218 = tpu.memref_slice %arg11[%dma_start3A_216, %dma_start3A_217] : memref<512x64xf32, #tpu.memory_space<vmem>> -> memref<128x64xf32, #tpu.memory_space<vmem>>
    %dma_start3A_219 = arith.constant 0 : i32
    %dma_start3A_220 = tpu.memref_slice %arg9[%dma_start3A_215, %dma_start3A_219] : memref<4x128xi32, #tpu.memory_space<vmem>> -> memref<1x128xi32, #tpu.memory_space<vmem>>
    %dma_start3A_221 = tpu.memref_squeeze %dma_start3A_220 : memref<1x128xi32, #tpu.memory_space<vmem>> -> memref<128xi32, #tpu.memory_space<vmem>>
    %dma_start3A_222 = arith.constant 0 : i32
    %dma_start3A_223 = arith.constant 0 : i32
    %dma_start3A_224 = tpu.memref_slice %arg4[%dma_start3A_222, %dma_start3A_223] : memref<1000000x64xf32, #tpu.memory_space<hbm>> -> memref<1000000x64xf32, #tpu.memory_space<hbm>>
    tpu.enqueue_indirect_dma source(%dma_start3A_224 : memref<1000000x64xf32, #tpu.memory_space<hbm>>) target(%dma_start3A_218 : memref<128x64xf32, #tpu.memory_space<vmem>>) offsets(%dma_start3A_221 : memref<128xi32, #tpu.memory_space<vmem>>) semaphore(%arg16 : memref<!tpu.dma_semaphore, #tpu.memory_space<semaphore_mem>>)
    %dma_wait3A_225 = arith.constant 3 : i32
    %dma_wait3A_226 = arith.constant 384 : i32
    %dma_wait3A_227 = arith.constant 0 : i32
    %dma_wait3A_228 = tpu.memref_slice %arg11[%dma_wait3A_226, %dma_wait3A_227] : memref<512x64xf32, #tpu.memory_space<vmem>> -> memref<128x64xf32, #tpu.memory_space<vmem>>
    %dma_wait3A_229 = arith.constant 0 : i32
    %dma_wait3A_230 = tpu.memref_slice %arg9[%dma_wait3A_225, %dma_wait3A_229] : memref<4x128xi32, #tpu.memory_space<vmem>> -> memref<1x128xi32, #tpu.memory_space<vmem>>
    %dma_wait3A_231 = tpu.memref_squeeze %dma_wait3A_230 : memref<1x128xi32, #tpu.memory_space<vmem>> -> memref<128xi32, #tpu.memory_space<vmem>>
    %dma_wait3A_232 = arith.constant 0 : i32
    %dma_wait3A_233 = arith.constant 0 : i32
    %dma_wait3A_234 = tpu.memref_slice %arg4[%dma_wait3A_232, %dma_wait3A_233] : memref<1000000x64xf32, #tpu.memory_space<hbm>> -> memref<1000000x64xf32, #tpu.memory_space<hbm>>
    tpu.wait_indirect_dma semaphore(%arg16 : memref<!tpu.dma_semaphore, #tpu.memory_space<semaphore_mem>>) src(%dma_wait3A_234 : memref<1000000x64xf32, #tpu.memory_space<hbm>>) dst(%dma_wait3A_228 : memref<128x64xf32, #tpu.memory_space<vmem>>)
    %dma_start3A_235 = arith.constant 3 : i32
    %dma_start3A_236 = arith.constant 384 : i32
    %dma_start3A_237 = arith.constant 0 : i32
    %dma_start3A_238 = tpu.memref_slice %arg12[%dma_start3A_236, %dma_start3A_237] : memref<512x64xf32, #tpu.memory_space<vmem>> -> memref<128x64xf32, #tpu.memory_space<vmem>>
    %dma_start3A_239 = arith.constant 0 : i32
    %dma_start3A_240 = tpu.memref_slice %arg10[%dma_start3A_235, %dma_start3A_239] : memref<4x128xi32, #tpu.memory_space<vmem>> -> memref<1x128xi32, #tpu.memory_space<vmem>>
    %dma_start3A_241 = tpu.memref_squeeze %dma_start3A_240 : memref<1x128xi32, #tpu.memory_space<vmem>> -> memref<128xi32, #tpu.memory_space<vmem>>
    %dma_start3A_242 = arith.constant 0 : i32
    %dma_start3A_243 = arith.constant 0 : i32
    %dma_start3A_244 = tpu.memref_slice %arg5[%dma_start3A_242, %dma_start3A_243] : memref<100000x64xf32, #tpu.memory_space<hbm>> -> memref<100000x64xf32, #tpu.memory_space<hbm>>
    tpu.enqueue_indirect_dma source(%dma_start3A_244 : memref<100000x64xf32, #tpu.memory_space<hbm>>) target(%dma_start3A_238 : memref<128x64xf32, #tpu.memory_space<vmem>>) offsets(%dma_start3A_241 : memref<128xi32, #tpu.memory_space<vmem>>) semaphore(%arg16 : memref<!tpu.dma_semaphore, #tpu.memory_space<semaphore_mem>>)
    %dma_wait3A_245 = arith.constant 3 : i32
    %dma_wait3A_246 = arith.constant 384 : i32
    %dma_wait3A_247 = arith.constant 0 : i32
    %dma_wait3A_248 = tpu.memref_slice %arg12[%dma_wait3A_246, %dma_wait3A_247] : memref<512x64xf32, #tpu.memory_space<vmem>> -> memref<128x64xf32, #tpu.memory_space<vmem>>
    %dma_wait3A_249 = arith.constant 0 : i32
    %dma_wait3A_250 = tpu.memref_slice %arg10[%dma_wait3A_245, %dma_wait3A_249] : memref<4x128xi32, #tpu.memory_space<vmem>> -> memref<1x128xi32, #tpu.memory_space<vmem>>
    %dma_wait3A_251 = tpu.memref_squeeze %dma_wait3A_250 : memref<1x128xi32, #tpu.memory_space<vmem>> -> memref<128xi32, #tpu.memory_space<vmem>>
    %dma_wait3A_252 = arith.constant 0 : i32
    %dma_wait3A_253 = arith.constant 0 : i32
    %dma_wait3A_254 = tpu.memref_slice %arg5[%dma_wait3A_252, %dma_wait3A_253] : memref<100000x64xf32, #tpu.memory_space<hbm>> -> memref<100000x64xf32, #tpu.memory_space<hbm>>
    tpu.wait_indirect_dma semaphore(%arg16 : memref<!tpu.dma_semaphore, #tpu.memory_space<semaphore_mem>>) src(%dma_wait3A_254 : memref<100000x64xf32, #tpu.memory_space<hbm>>) dst(%dma_wait3A_248 : memref<128x64xf32, #tpu.memory_space<vmem>>)
    %dma_start3A_255 = arith.constant 3 : i32
    %dma_start3A_256 = arith.constant 384 : i32
    %dma_start3A_257 = tpu.memref_slice %arg13[%dma_start3A_256] : memref<512xf32, #tpu.memory_space<vmem>> -> memref<128xf32, #tpu.memory_space<vmem>>
    %dma_start3A_258 = arith.constant 0 : i32
    %dma_start3A_259 = tpu.memref_slice %arg9[%dma_start3A_255, %dma_start3A_258] : memref<4x128xi32, #tpu.memory_space<vmem>> -> memref<1x128xi32, #tpu.memory_space<vmem>>
    %dma_start3A_260 = tpu.memref_squeeze %dma_start3A_259 : memref<1x128xi32, #tpu.memory_space<vmem>> -> memref<128xi32, #tpu.memory_space<vmem>>
    %dma_start3A_261 = arith.constant 0 : i32
    %dma_start3A_262 = tpu.memref_slice %arg6[%dma_start3A_261] : memref<1000000xf32, #tpu.memory_space<hbm>> -> memref<1000000xf32, #tpu.memory_space<hbm>>
    tpu.enqueue_indirect_dma source(%dma_start3A_262 : memref<1000000xf32, #tpu.memory_space<hbm>>) target(%dma_start3A_257 : memref<128xf32, #tpu.memory_space<vmem>>) offsets(%dma_start3A_260 : memref<128xi32, #tpu.memory_space<vmem>>) semaphore(%arg16 : memref<!tpu.dma_semaphore, #tpu.memory_space<semaphore_mem>>)
    %dma_wait3A_263 = arith.constant 3 : i32
    %dma_wait3A_264 = arith.constant 384 : i32
    %dma_wait3A_265 = tpu.memref_slice %arg13[%dma_wait3A_264] : memref<512xf32, #tpu.memory_space<vmem>> -> memref<128xf32, #tpu.memory_space<vmem>>
    %dma_wait3A_266 = arith.constant 0 : i32
    %dma_wait3A_267 = tpu.memref_slice %arg9[%dma_wait3A_263, %dma_wait3A_266] : memref<4x128xi32, #tpu.memory_space<vmem>> -> memref<1x128xi32, #tpu.memory_space<vmem>>
    %dma_wait3A_268 = tpu.memref_squeeze %dma_wait3A_267 : memref<1x128xi32, #tpu.memory_space<vmem>> -> memref<128xi32, #tpu.memory_space<vmem>>
    %dma_wait3A_269 = arith.constant 0 : i32
    %dma_wait3A_270 = tpu.memref_slice %arg6[%dma_wait3A_269] : memref<1000000xf32, #tpu.memory_space<hbm>> -> memref<1000000xf32, #tpu.memory_space<hbm>>
    tpu.wait_indirect_dma semaphore(%arg16 : memref<!tpu.dma_semaphore, #tpu.memory_space<semaphore_mem>>) src(%dma_wait3A_270 : memref<1000000xf32, #tpu.memory_space<hbm>>) dst(%dma_wait3A_265 : memref<128xf32, #tpu.memory_space<vmem>>)
    %dma_start3A_271 = arith.constant 3 : i32
    %dma_start3A_272 = arith.constant 384 : i32
    %dma_start3A_273 = tpu.memref_slice %arg14[%dma_start3A_272] : memref<512xf32, #tpu.memory_space<vmem>> -> memref<128xf32, #tpu.memory_space<vmem>>
    %dma_start3A_274 = arith.constant 0 : i32
    %dma_start3A_275 = tpu.memref_slice %arg10[%dma_start3A_271, %dma_start3A_274] : memref<4x128xi32, #tpu.memory_space<vmem>> -> memref<1x128xi32, #tpu.memory_space<vmem>>
    %dma_start3A_276 = tpu.memref_squeeze %dma_start3A_275 : memref<1x128xi32, #tpu.memory_space<vmem>> -> memref<128xi32, #tpu.memory_space<vmem>>
    %dma_start3A_277 = arith.constant 0 : i32
    %dma_start3A_278 = tpu.memref_slice %arg7[%dma_start3A_277] : memref<100000xf32, #tpu.memory_space<hbm>> -> memref<100000xf32, #tpu.memory_space<hbm>>
    tpu.enqueue_indirect_dma source(%dma_start3A_278 : memref<100000xf32, #tpu.memory_space<hbm>>) target(%dma_start3A_273 : memref<128xf32, #tpu.memory_space<vmem>>) offsets(%dma_start3A_276 : memref<128xi32, #tpu.memory_space<vmem>>) semaphore(%arg16 : memref<!tpu.dma_semaphore, #tpu.memory_space<semaphore_mem>>)
    %dma_wait3A_279 = arith.constant 3 : i32
    %dma_wait3A_280 = arith.constant 384 : i32
    %dma_wait3A_281 = tpu.memref_slice %arg14[%dma_wait3A_280] : memref<512xf32, #tpu.memory_space<vmem>> -> memref<128xf32, #tpu.memory_space<vmem>>
    %dma_wait3A_282 = arith.constant 0 : i32
    %dma_wait3A_283 = tpu.memref_slice %arg10[%dma_wait3A_279, %dma_wait3A_282] : memref<4x128xi32, #tpu.memory_space<vmem>> -> memref<1x128xi32, #tpu.memory_space<vmem>>
    %dma_wait3A_284 = tpu.memref_squeeze %dma_wait3A_283 : memref<1x128xi32, #tpu.memory_space<vmem>> -> memref<128xi32, #tpu.memory_space<vmem>>
    %dma_wait3A_285 = arith.constant 0 : i32
    %dma_wait3A_286 = tpu.memref_slice %arg7[%dma_wait3A_285] : memref<100000xf32, #tpu.memory_space<hbm>> -> memref<100000xf32, #tpu.memory_space<hbm>>
    tpu.wait_indirect_dma semaphore(%arg16 : memref<!tpu.dma_semaphore, #tpu.memory_space<semaphore_mem>>) src(%dma_wait3A_286 : memref<100000xf32, #tpu.memory_space<hbm>>) dst(%dma_wait3A_281 : memref<128xf32, #tpu.memory_space<vmem>>)
    %iota3A = tpu.iota {dimensions = array<i32: 0>} : vector<16xi32>
    %scan3A = arith.constant 0 : i32
    %scan3A_287 = arith.constant 0 : i32
    %scan3A_288 = arith.constant 32 : i32
    %scan3A_289 = arith.addi %scan3A_287, %scan3A_288 : i32
    %scan3A_290 = arith.constant 1 : i32
    scf.for %scan3A_294 = %scan3A_287 to %scan3A_289 step %scan3A_290  : i32 {
      %mul3A_295 = arith.constant 16 : i32
      %mul3A_296 = arith.muli %scan3A_294, %mul3A_295 : i32
      %get3A = arith.index_cast %mul3A_296 : i32 to index
      %get3A_297 = tpu.vector_load %arg13[%get3A] {strides = array<i32>} : memref<512xf32, #tpu.memory_space<vmem>>, vector<16xf32>,
      %get3A_298 = arith.index_cast %mul3A_296 : i32 to index
      %get3A_299 = tpu.vector_load %arg14[%get3A_298] {strides = array<i32>} : memref<512xf32, #tpu.memory_space<vmem>>, vector<16xf32>,
      %add3A_300 = arith.addf %get3A_297, %get3A_299 : vector<16xf32>
      %add3A_301 = arith.constant 0 : i32
      %add3A_302 = arith.addi %mul3A_296, %add3A_301 : i32
      %get3A_303 = arith.index_cast %add3A_302 : i32 to index
      %get3A_304 = arith.constant 0 : index
      %get3A_305 = tpu.vector_load %arg11[%get3A_303, %get3A_304] {strides = array<i32>} : memref<512x64xf32, #tpu.memory_space<vmem>>, vector<16xf32>,
      %get3A_306 = arith.index_cast %add3A_302 : i32 to index
      %get3A_307 = arith.constant 0 : index
      %get3A_308 = tpu.vector_load %arg12[%get3A_306, %get3A_307] {strides = array<i32>} : memref<512x64xf32, #tpu.memory_space<vmem>>, vector<16xf32>,
      %mul3A_309 = arith.mulf %get3A_305, %get3A_308 : vector<16xf32>
      %get3A_310 = arith.index_cast %add3A_302 : i32 to index
      %get3A_311 = arith.constant 16 : index
      %get3A_312 = tpu.vector_load %arg11[%get3A_310, %get3A_311] {strides = array<i32>} : memref<512x64xf32, #tpu.memory_space<vmem>>, vector<16xf32>,
      %get3A_313 = arith.index_cast %add3A_302 : i32 to index
      %get3A_314 = arith.constant 16 : index
      %get3A_315 = tpu.vector_load %arg12[%get3A_313, %get3A_314] {strides = array<i32>} : memref<512x64xf32, #tpu.memory_space<vmem>>, vector<16xf32>,
      %mul3A_316 = arith.mulf %get3A_312, %get3A_315 : vector<16xf32>
      %add3A_317 = arith.addf %mul3A_309, %mul3A_316 : vector<16xf32>
      %get3A_318 = arith.index_cast %add3A_302 : i32 to index
      %get3A_319 = arith.constant 32 : index
      %get3A_320 = tpu.vector_load %arg11[%get3A_318, %get3A_319] {strides = array<i32>} : memref<512x64xf32, #tpu.memory_space<vmem>>, vector<16xf32>,
      %get3A_321 = arith.index_cast %add3A_302 : i32 to index
      %get3A_322 = arith.constant 32 : index
      %get3A_323 = tpu.vector_load %arg12[%get3A_321, %get3A_322] {strides = array<i32>} : memref<512x64xf32, #tpu.memory_space<vmem>>, vector<16xf32>,
      %mul3A_324 = arith.mulf %get3A_320, %get3A_323 : vector<16xf32>
      %add3A_325 = arith.addf %add3A_317, %mul3A_324 : vector<16xf32>
      %get3A_326 = arith.index_cast %add3A_302 : i32 to index
      %get3A_327 = arith.constant 48 : index
      %get3A_328 = tpu.vector_load %arg11[%get3A_326, %get3A_327] {strides = array<i32>} : memref<512x64xf32, #tpu.memory_space<vmem>>, vector<16xf32>,
      %get3A_329 = arith.index_cast %add3A_302 : i32 to index
      %get3A_330 = arith.constant 48 : index
      %get3A_331 = tpu.vector_load %arg12[%get3A_329, %get3A_330] {strides = array<i32>} : memref<512x64xf32, #tpu.memory_space<vmem>>, vector<16xf32>,
      %mul3A_332 = arith.mulf %get3A_328, %get3A_331 : vector<16xf32>
      %add3A_333 = arith.addf %add3A_325, %mul3A_332 : vector<16xf32>
      %eq3A = arith.constant 0 : i32
      %eq3A_334 = vector.broadcast %eq3A : i32 to vector<16xi32>
      %eq3A_335 = arith.cmpi eq, %iota3A, %eq3A_334 : vector<16xi32>
      %reduce_sum3A = arith.constant true
      %reduce_sum3A_336 = vector.broadcast %reduce_sum3A : i1 to vector<16xi1>
      %reduce_sum3A_337 = tpu.scan <sum>, %add3A_333 masked %reduce_sum3A_336 : vector<16xf32>, vector<16xi1> -> vector<16xf32>
      %reduce_sum3A_338 = vector.extract %reduce_sum3A_337[15] : f32 from vector<16xf32>
      %add3A_339 = vector.broadcast %reduce_sum3A_338 : f32 to vector<16xf32>
      %add3A_340 = arith.addf %add3A_300, %add3A_339 : vector<16xf32>
      %select_n3A = arith.select %eq3A_335, %add3A_340, %add3A_300 : vector<16xi1>, vector<16xf32>
      %add3A_341 = arith.constant 1 : i32
      %add3A_342 = arith.addi %mul3A_296, %add3A_341 : i32
      %get3A_343 = arith.index_cast %add3A_342 : i32 to index
      %get3A_344 = arith.constant 0 : index
      %get3A_345 = tpu.vector_load %arg11[%get3A_343, %get3A_344] {strides = array<i32>} : memref<512x64xf32, #tpu.memory_space<vmem>>, vector<16xf32>,
      %get3A_346 = arith.index_cast %add3A_342 : i32 to index
      %get3A_347 = arith.constant 0 : index
      %get3A_348 = tpu.vector_load %arg12[%get3A_346, %get3A_347] {strides = array<i32>} : memref<512x64xf32, #tpu.memory_space<vmem>>, vector<16xf32>,
      %mul3A_349 = arith.mulf %get3A_345, %get3A_348 : vector<16xf32>
      %get3A_350 = arith.index_cast %add3A_342 : i32 to index
      %get3A_351 = arith.constant 16 : index
      %get3A_352 = tpu.vector_load %arg11[%get3A_350, %get3A_351] {strides = array<i32>} : memref<512x64xf32, #tpu.memory_space<vmem>>, vector<16xf32>,
      %get3A_353 = arith.index_cast %add3A_342 : i32 to index
      %get3A_354 = arith.constant 16 : index
      %get3A_355 = tpu.vector_load %arg12[%get3A_353, %get3A_354] {strides = array<i32>} : memref<512x64xf32, #tpu.memory_space<vmem>>, vector<16xf32>,
      %mul3A_356 = arith.mulf %get3A_352, %get3A_355 : vector<16xf32>
      %add3A_357 = arith.addf %mul3A_349, %mul3A_356 : vector<16xf32>
      %get3A_358 = arith.index_cast %add3A_342 : i32 to index
      %get3A_359 = arith.constant 32 : index
      %get3A_360 = tpu.vector_load %arg11[%get3A_358, %get3A_359] {strides = array<i32>} : memref<512x64xf32, #tpu.memory_space<vmem>>, vector<16xf32>,
      %get3A_361 = arith.index_cast %add3A_342 : i32 to index
      %get3A_362 = arith.constant 32 : index
      %get3A_363 = tpu.vector_load %arg12[%get3A_361, %get3A_362] {strides = array<i32>} : memref<512x64xf32, #tpu.memory_space<vmem>>, vector<16xf32>,
      %mul3A_364 = arith.mulf %get3A_360, %get3A_363 : vector<16xf32>
      %add3A_365 = arith.addf %add3A_357, %mul3A_364 : vector<16xf32>
      %get3A_366 = arith.index_cast %add3A_342 : i32 to index
      %get3A_367 = arith.constant 48 : index
      %get3A_368 = tpu.vector_load %arg11[%get3A_366, %get3A_367] {strides = array<i32>} : memref<512x64xf32, #tpu.memory_space<vmem>>, vector<16xf32>,
      %get3A_369 = arith.index_cast %add3A_342 : i32 to index
      %get3A_370 = arith.constant 48 : index
      %get3A_371 = tpu.vector_load %arg12[%get3A_369, %get3A_370] {strides = array<i32>} : memref<512x64xf32, #tpu.memory_space<vmem>>, vector<16xf32>,
      %mul3A_372 = arith.mulf %get3A_368, %get3A_371 : vector<16xf32>
      %add3A_373 = arith.addf %add3A_365, %mul3A_372 : vector<16xf32>
      %eq3A_374 = arith.constant 1 : i32
      %eq3A_375 = vector.broadcast %eq3A_374 : i32 to vector<16xi32>
      %eq3A_376 = arith.cmpi eq, %iota3A, %eq3A_375 : vector<16xi32>
      %reduce_sum3A_377 = arith.constant true
      %reduce_sum3A_378 = vector.broadcast %reduce_sum3A_377 : i1 to vector<16xi1>
      %reduce_sum3A_379 = tpu.scan <sum>, %add3A_373 masked %reduce_sum3A_378 : vector<16xf32>, vector<16xi1> -> vector<16xf32>
      %reduce_sum3A_380 = vector.extract %reduce_sum3A_379[15] : f32 from vector<16xf32>
      %add3A_381 = vector.broadcast %reduce_sum3A_380 : f32 to vector<16xf32>
      %add3A_382 = arith.addf %select_n3A, %add3A_381 : vector<16xf32>
      %select_n3A_383 = arith.select %eq3A_376, %add3A_382, %select_n3A : vector<16xi1>, vector<16xf32>
      %add3A_384 = arith.constant 2 : i32
      %add3A_385 = arith.addi %mul3A_296, %add3A_384 : i32
      %get3A_386 = arith.index_cast %add3A_385 : i32 to index
      %get3A_387 = arith.constant 0 : index
      %get3A_388 = tpu.vector_load %arg11[%get3A_386, %get3A_387] {strides = array<i32>} : memref<512x64xf32, #tpu.memory_space<vmem>>, vector<16xf32>,
      %get3A_389 = arith.index_cast %add3A_385 : i32 to index
      %get3A_390 = arith.constant 0 : index
      %get3A_391 = tpu.vector_load %arg12[%get3A_389, %get3A_390] {strides = array<i32>} : memref<512x64xf32, #tpu.memory_space<vmem>>, vector<16xf32>,
      %mul3A_392 = arith.mulf %get3A_388, %get3A_391 : vector<16xf32>
      %get3A_393 = arith.index_cast %add3A_385 : i32 to index
      %get3A_394 = arith.constant 16 : index
      %get3A_395 = tpu.vector_load %arg11[%get3A_393, %get3A_394] {strides = array<i32>} : memref<512x64xf32, #tpu.memory_space<vmem>>, vector<16xf32>,
      %get3A_396 = arith.index_cast %add3A_385 : i32 to index
      %get3A_397 = arith.constant 16 : index
      %get3A_398 = tpu.vector_load %arg12[%get3A_396, %get3A_397] {strides = array<i32>} : memref<512x64xf32, #tpu.memory_space<vmem>>, vector<16xf32>,
      %mul3A_399 = arith.mulf %get3A_395, %get3A_398 : vector<16xf32>
      %add3A_400 = arith.addf %mul3A_392, %mul3A_399 : vector<16xf32>
      %get3A_401 = arith.index_cast %add3A_385 : i32 to index
      %get3A_402 = arith.constant 32 : index
      %get3A_403 = tpu.vector_load %arg11[%get3A_401, %get3A_402] {strides = array<i32>} : memref<512x64xf32, #tpu.memory_space<vmem>>, vector<16xf32>,
      %get3A_404 = arith.index_cast %add3A_385 : i32 to index
      %get3A_405 = arith.constant 32 : index
      %get3A_406 = tpu.vector_load %arg12[%get3A_404, %get3A_405] {strides = array<i32>} : memref<512x64xf32, #tpu.memory_space<vmem>>, vector<16xf32>,
      %mul3A_407 = arith.mulf %get3A_403, %get3A_406 : vector<16xf32>
      %add3A_408 = arith.addf %add3A_400, %mul3A_407 : vector<16xf32>
      %get3A_409 = arith.index_cast %add3A_385 : i32 to index
      %get3A_410 = arith.constant 48 : index
      %get3A_411 = tpu.vector_load %arg11[%get3A_409, %get3A_410] {strides = array<i32>} : memref<512x64xf32, #tpu.memory_space<vmem>>, vector<16xf32>,
      %get3A_412 = arith.index_cast %add3A_385 : i32 to index
      %get3A_413 = arith.constant 48 : index
      %get3A_414 = tpu.vector_load %arg12[%get3A_412, %get3A_413] {strides = array<i32>} : memref<512x64xf32, #tpu.memory_space<vmem>>, vector<16xf32>,
      %mul3A_415 = arith.mulf %get3A_411, %get3A_414 : vector<16xf32>
      %add3A_416 = arith.addf %add3A_408, %mul3A_415 : vector<16xf32>
      %eq3A_417 = arith.constant 2 : i32
      %eq3A_418 = vector.broadcast %eq3A_417 : i32 to vector<16xi32>
      %eq3A_419 = arith.cmpi eq, %iota3A, %eq3A_418 : vector<16xi32>
      %reduce_sum3A_420 = arith.constant true
      %reduce_sum3A_421 = vector.broadcast %reduce_sum3A_420 : i1 to vector<16xi1>
      %reduce_sum3A_422 = tpu.scan <sum>, %add3A_416 masked %reduce_sum3A_421 : vector<16xf32>, vector<16xi1> -> vector<16xf32>
      %reduce_sum3A_423 = vector.extract %reduce_sum3A_422[15] : f32 from vector<16xf32>
      %add3A_424 = vector.broadcast %reduce_sum3A_423 : f32 to vector<16xf32>
      %add3A_425 = arith.addf %select_n3A_383, %add3A_424 : vector<16xf32>
      %select_n3A_426 = arith.select %eq3A_419, %add3A_425, %select_n3A_383 : vector<16xi1>, vector<16xf32>
      %add3A_427 = arith.constant 3 : i32
      %add3A_428 = arith.addi %mul3A_296, %add3A_427 : i32
      %get3A_429 = arith.index_cast %add3A_428 : i32 to index
      %get3A_430 = arith.constant 0 : index
      %get3A_431 = tpu.vector_load %arg11[%get3A_429, %get3A_430] {strides = array<i32>} : memref<512x64xf32, #tpu.memory_space<vmem>>, vector<16xf32>,
      %get3A_432 = arith.index_cast %add3A_428 : i32 to index
      %get3A_433 = arith.constant 0 : index
      %get3A_434 = tpu.vector_load %arg12[%get3A_432, %get3A_433] {strides = array<i32>} : memref<512x64xf32, #tpu.memory_space<vmem>>, vector<16xf32>,
      %mul3A_435 = arith.mulf %get3A_431, %get3A_434 : vector<16xf32>
      %get3A_436 = arith.index_cast %add3A_428 : i32 to index
      %get3A_437 = arith.constant 16 : index
      %get3A_438 = tpu.vector_load %arg11[%get3A_436, %get3A_437] {strides = array<i32>} : memref<512x64xf32, #tpu.memory_space<vmem>>, vector<16xf32>,
      %get3A_439 = arith.index_cast %add3A_428 : i32 to index
      %get3A_440 = arith.constant 16 : index
      %get3A_441 = tpu.vector_load %arg12[%get3A_439, %get3A_440] {strides = array<i32>} : memref<512x64xf32, #tpu.memory_space<vmem>>, vector<16xf32>,
      %mul3A_442 = arith.mulf %get3A_438, %get3A_441 : vector<16xf32>
      %add3A_443 = arith.addf %mul3A_435, %mul3A_442 : vector<16xf32>
      %get3A_444 = arith.index_cast %add3A_428 : i32 to index
      %get3A_445 = arith.constant 32 : index
      %get3A_446 = tpu.vector_load %arg11[%get3A_444, %get3A_445] {strides = array<i32>} : memref<512x64xf32, #tpu.memory_space<vmem>>, vector<16xf32>,
      %get3A_447 = arith.index_cast %add3A_428 : i32 to index
      %get3A_448 = arith.constant 32 : index
      %get3A_449 = tpu.vector_load %arg12[%get3A_447, %get3A_448] {strides = array<i32>} : memref<512x64xf32, #tpu.memory_space<vmem>>, vector<16xf32>,
      %mul3A_450 = arith.mulf %get3A_446, %get3A_449 : vector<16xf32>
      %add3A_451 = arith.addf %add3A_443, %mul3A_450 : vector<16xf32>
      %get3A_452 = arith.index_cast %add3A_428 : i32 to index
      %get3A_453 = arith.constant 48 : index
      %get3A_454 = tpu.vector_load %arg11[%get3A_452, %get3A_453] {strides = array<i32>} : memref<512x64xf32, #tpu.memory_space<vmem>>, vector<16xf32>,
      %get3A_455 = arith.index_cast %add3A_428 : i32 to index
      %get3A_456 = arith.constant 48 : index
      %get3A_457 = tpu.vector_load %arg12[%get3A_455, %get3A_456] {strides = array<i32>} : memref<512x64xf32, #tpu.memory_space<vmem>>, vector<16xf32>,
      %mul3A_458 = arith.mulf %get3A_454, %get3A_457 : vector<16xf32>
      %add3A_459 = arith.addf %add3A_451, %mul3A_458 : vector<16xf32>
      %eq3A_460 = arith.constant 3 : i32
      %eq3A_461 = vector.broadcast %eq3A_460 : i32 to vector<16xi32>
      %eq3A_462 = arith.cmpi eq, %iota3A, %eq3A_461 : vector<16xi32>
      %reduce_sum3A_463 = arith.constant true
      %reduce_sum3A_464 = vector.broadcast %reduce_sum3A_463 : i1 to vector<16xi1>
      %reduce_sum3A_465 = tpu.scan <sum>, %add3A_459 masked %reduce_sum3A_464 : vector<16xf32>, vector<16xi1> -> vector<16xf32>
      %reduce_sum3A_466 = vector.extract %reduce_sum3A_465[15] : f32 from vector<16xf32>
      %add3A_467 = vector.broadcast %reduce_sum3A_466 : f32 to vector<16xf32>
      %add3A_468 = arith.addf %select_n3A_426, %add3A_467 : vector<16xf32>
      %select_n3A_469 = arith.select %eq3A_462, %add3A_468, %select_n3A_426 : vector<16xi1>, vector<16xf32>
      %add3A_470 = arith.constant 4 : i32
      %add3A_471 = arith.addi %mul3A_296, %add3A_470 : i32
      %get3A_472 = arith.index_cast %add3A_471 : i32 to index
      %get3A_473 = arith.constant 0 : index
      %get3A_474 = tpu.vector_load %arg11[%get3A_472, %get3A_473] {strides = array<i32>} : memref<512x64xf32, #tpu.memory_space<vmem>>, vector<16xf32>,
      %get3A_475 = arith.index_cast %add3A_471 : i32 to index
      %get3A_476 = arith.constant 0 : index
      %get3A_477 = tpu.vector_load %arg12[%get3A_475, %get3A_476] {strides = array<i32>} : memref<512x64xf32, #tpu.memory_space<vmem>>, vector<16xf32>,
      %mul3A_478 = arith.mulf %get3A_474, %get3A_477 : vector<16xf32>
      %get3A_479 = arith.index_cast %add3A_471 : i32 to index
      %get3A_480 = arith.constant 16 : index
      %get3A_481 = tpu.vector_load %arg11[%get3A_479, %get3A_480] {strides = array<i32>} : memref<512x64xf32, #tpu.memory_space<vmem>>, vector<16xf32>,
      %get3A_482 = arith.index_cast %add3A_471 : i32 to index
      %get3A_483 = arith.constant 16 : index
      %get3A_484 = tpu.vector_load %arg12[%get3A_482, %get3A_483] {strides = array<i32>} : memref<512x64xf32, #tpu.memory_space<vmem>>, vector<16xf32>,
      %mul3A_485 = arith.mulf %get3A_481, %get3A_484 : vector<16xf32>
      %add3A_486 = arith.addf %mul3A_478, %mul3A_485 : vector<16xf32>
      %get3A_487 = arith.index_cast %add3A_471 : i32 to index
      %get3A_488 = arith.constant 32 : index
      %get3A_489 = tpu.vector_load %arg11[%get3A_487, %get3A_488] {strides = array<i32>} : memref<512x64xf32, #tpu.memory_space<vmem>>, vector<16xf32>,
      %get3A_490 = arith.index_cast %add3A_471 : i32 to index
      %get3A_491 = arith.constant 32 : index
      %get3A_492 = tpu.vector_load %arg12[%get3A_490, %get3A_491] {strides = array<i32>} : memref<512x64xf32, #tpu.memory_space<vmem>>, vector<16xf32>,
      %mul3A_493 = arith.mulf %get3A_489, %get3A_492 : vector<16xf32>
      %add3A_494 = arith.addf %add3A_486, %mul3A_493 : vector<16xf32>
      %get3A_495 = arith.index_cast %add3A_471 : i32 to index
      %get3A_496 = arith.constant 48 : index
      %get3A_497 = tpu.vector_load %arg11[%get3A_495, %get3A_496] {strides = array<i32>} : memref<512x64xf32, #tpu.memory_space<vmem>>, vector<16xf32>,
      %get3A_498 = arith.index_cast %add3A_471 : i32 to index
      %get3A_499 = arith.constant 48 : index
      %get3A_500 = tpu.vector_load %arg12[%get3A_498, %get3A_499] {strides = array<i32>} : memref<512x64xf32, #tpu.memory_space<vmem>>, vector<16xf32>,
      %mul3A_501 = arith.mulf %get3A_497, %get3A_500 : vector<16xf32>
      %add3A_502 = arith.addf %add3A_494, %mul3A_501 : vector<16xf32>
      %eq3A_503 = arith.constant 4 : i32
      %eq3A_504 = vector.broadcast %eq3A_503 : i32 to vector<16xi32>
      %eq3A_505 = arith.cmpi eq, %iota3A, %eq3A_504 : vector<16xi32>
      %reduce_sum3A_506 = arith.constant true
      %reduce_sum3A_507 = vector.broadcast %reduce_sum3A_506 : i1 to vector<16xi1>
      %reduce_sum3A_508 = tpu.scan <sum>, %add3A_502 masked %reduce_sum3A_507 : vector<16xf32>, vector<16xi1> -> vector<16xf32>
      %reduce_sum3A_509 = vector.extract %reduce_sum3A_508[15] : f32 from vector<16xf32>
      %add3A_510 = vector.broadcast %reduce_sum3A_509 : f32 to vector<16xf32>
      %add3A_511 = arith.addf %select_n3A_469, %add3A_510 : vector<16xf32>
      %select_n3A_512 = arith.select %eq3A_505, %add3A_511, %select_n3A_469 : vector<16xi1>, vector<16xf32>
      %add3A_513 = arith.constant 5 : i32
      %add3A_514 = arith.addi %mul3A_296, %add3A_513 : i32
      %get3A_515 = arith.index_cast %add3A_514 : i32 to index
      %get3A_516 = arith.constant 0 : index
      %get3A_517 = tpu.vector_load %arg11[%get3A_515, %get3A_516] {strides = array<i32>} : memref<512x64xf32, #tpu.memory_space<vmem>>, vector<16xf32>,
      %get3A_518 = arith.index_cast %add3A_514 : i32 to index
      %get3A_519 = arith.constant 0 : index
      %get3A_520 = tpu.vector_load %arg12[%get3A_518, %get3A_519] {strides = array<i32>} : memref<512x64xf32, #tpu.memory_space<vmem>>, vector<16xf32>,
      %mul3A_521 = arith.mulf %get3A_517, %get3A_520 : vector<16xf32>
      %get3A_522 = arith.index_cast %add3A_514 : i32 to index
      %get3A_523 = arith.constant 16 : index
      %get3A_524 = tpu.vector_load %arg11[%get3A_522, %get3A_523] {strides = array<i32>} : memref<512x64xf32, #tpu.memory_space<vmem>>, vector<16xf32>,
      %get3A_525 = arith.index_cast %add3A_514 : i32 to index
      %get3A_526 = arith.constant 16 : index
      %get3A_527 = tpu.vector_load %arg12[%get3A_525, %get3A_526] {strides = array<i32>} : memref<512x64xf32, #tpu.memory_space<vmem>>, vector<16xf32>,
      %mul3A_528 = arith.mulf %get3A_524, %get3A_527 : vector<16xf32>
      %add3A_529 = arith.addf %mul3A_521, %mul3A_528 : vector<16xf32>
      %get3A_530 = arith.index_cast %add3A_514 : i32 to index
      %get3A_531 = arith.constant 32 : index
      %get3A_532 = tpu.vector_load %arg11[%get3A_530, %get3A_531] {strides = array<i32>} : memref<512x64xf32, #tpu.memory_space<vmem>>, vector<16xf32>,
      %get3A_533 = arith.index_cast %add3A_514 : i32 to index
      %get3A_534 = arith.constant 32 : index
      %get3A_535 = tpu.vector_load %arg12[%get3A_533, %get3A_534] {strides = array<i32>} : memref<512x64xf32, #tpu.memory_space<vmem>>, vector<16xf32>,
      %mul3A_536 = arith.mulf %get3A_532, %get3A_535 : vector<16xf32>
      %add3A_537 = arith.addf %add3A_529, %mul3A_536 : vector<16xf32>
      %get3A_538 = arith.index_cast %add3A_514 : i32 to index
      %get3A_539 = arith.constant 48 : index
      %get3A_540 = tpu.vector_load %arg11[%get3A_538, %get3A_539] {strides = array<i32>} : memref<512x64xf32, #tpu.memory_space<vmem>>, vector<16xf32>,
      %get3A_541 = arith.index_cast %add3A_514 : i32 to index
      %get3A_542 = arith.constant 48 : index
      %get3A_543 = tpu.vector_load %arg12[%get3A_541, %get3A_542] {strides = array<i32>} : memref<512x64xf32, #tpu.memory_space<vmem>>, vector<16xf32>,
      %mul3A_544 = arith.mulf %get3A_540, %get3A_543 : vector<16xf32>
      %add3A_545 = arith.addf %add3A_537, %mul3A_544 : vector<16xf32>
      %eq3A_546 = arith.constant 5 : i32
      %eq3A_547 = vector.broadcast %eq3A_546 : i32 to vector<16xi32>
      %eq3A_548 = arith.cmpi eq, %iota3A, %eq3A_547 : vector<16xi32>
      %reduce_sum3A_549 = arith.constant true
      %reduce_sum3A_550 = vector.broadcast %reduce_sum3A_549 : i1 to vector<16xi1>
      %reduce_sum3A_551 = tpu.scan <sum>, %add3A_545 masked %reduce_sum3A_550 : vector<16xf32>, vector<16xi1> -> vector<16xf32>
      %reduce_sum3A_552 = vector.extract %reduce_sum3A_551[15] : f32 from vector<16xf32>
      %add3A_553 = vector.broadcast %reduce_sum3A_552 : f32 to vector<16xf32>
      %add3A_554 = arith.addf %select_n3A_512, %add3A_553 : vector<16xf32>
      %select_n3A_555 = arith.select %eq3A_548, %add3A_554, %select_n3A_512 : vector<16xi1>, vector<16xf32>
      %add3A_556 = arith.constant 6 : i32
      %add3A_557 = arith.addi %mul3A_296, %add3A_556 : i32
      %get3A_558 = arith.index_cast %add3A_557 : i32 to index
      %get3A_559 = arith.constant 0 : index
      %get3A_560 = tpu.vector_load %arg11[%get3A_558, %get3A_559] {strides = array<i32>} : memref<512x64xf32, #tpu.memory_space<vmem>>, vector<16xf32>,
      %get3A_561 = arith.index_cast %add3A_557 : i32 to index
      %get3A_562 = arith.constant 0 : index
      %get3A_563 = tpu.vector_load %arg12[%get3A_561, %get3A_562] {strides = array<i32>} : memref<512x64xf32, #tpu.memory_space<vmem>>, vector<16xf32>,
      %mul3A_564 = arith.mulf %get3A_560, %get3A_563 : vector<16xf32>
      %get3A_565 = arith.index_cast %add3A_557 : i32 to index
      %get3A_566 = arith.constant 16 : index
      %get3A_567 = tpu.vector_load %arg11[%get3A_565, %get3A_566] {strides = array<i32>} : memref<512x64xf32, #tpu.memory_space<vmem>>, vector<16xf32>,
      %get3A_568 = arith.index_cast %add3A_557 : i32 to index
      %get3A_569 = arith.constant 16 : index
      %get3A_570 = tpu.vector_load %arg12[%get3A_568, %get3A_569] {strides = array<i32>} : memref<512x64xf32, #tpu.memory_space<vmem>>, vector<16xf32>,
      %mul3A_571 = arith.mulf %get3A_567, %get3A_570 : vector<16xf32>
      %add3A_572 = arith.addf %mul3A_564, %mul3A_571 : vector<16xf32>
      %get3A_573 = arith.index_cast %add3A_557 : i32 to index
      %get3A_574 = arith.constant 32 : index
      %get3A_575 = tpu.vector_load %arg11[%get3A_573, %get3A_574] {strides = array<i32>} : memref<512x64xf32, #tpu.memory_space<vmem>>, vector<16xf32>,
      %get3A_576 = arith.index_cast %add3A_557 : i32 to index
      %get3A_577 = arith.constant 32 : index
      %get3A_578 = tpu.vector_load %arg12[%get3A_576, %get3A_577] {strides = array<i32>} : memref<512x64xf32, #tpu.memory_space<vmem>>, vector<16xf32>,
      %mul3A_579 = arith.mulf %get3A_575, %get3A_578 : vector<16xf32>
      %add3A_580 = arith.addf %add3A_572, %mul3A_579 : vector<16xf32>
      %get3A_581 = arith.index_cast %add3A_557 : i32 to index
      %get3A_582 = arith.constant 48 : index
      %get3A_583 = tpu.vector_load %arg11[%get3A_581, %get3A_582] {strides = array<i32>} : memref<512x64xf32, #tpu.memory_space<vmem>>, vector<16xf32>,
      %get3A_584 = arith.index_cast %add3A_557 : i32 to index
      %get3A_585 = arith.constant 48 : index
      %get3A_586 = tpu.vector_load %arg12[%get3A_584, %get3A_585] {strides = array<i32>} : memref<512x64xf32, #tpu.memory_space<vmem>>, vector<16xf32>,
      %mul3A_587 = arith.mulf %get3A_583, %get3A_586 : vector<16xf32>
      %add3A_588 = arith.addf %add3A_580, %mul3A_587 : vector<16xf32>
      %eq3A_589 = arith.constant 6 : i32
      %eq3A_590 = vector.broadcast %eq3A_589 : i32 to vector<16xi32>
      %eq3A_591 = arith.cmpi eq, %iota3A, %eq3A_590 : vector<16xi32>
      %reduce_sum3A_592 = arith.constant true
      %reduce_sum3A_593 = vector.broadcast %reduce_sum3A_592 : i1 to vector<16xi1>
      %reduce_sum3A_594 = tpu.scan <sum>, %add3A_588 masked %reduce_sum3A_593 : vector<16xf32>, vector<16xi1> -> vector<16xf32>
      %reduce_sum3A_595 = vector.extract %reduce_sum3A_594[15] : f32 from vector<16xf32>
      %add3A_596 = vector.broadcast %reduce_sum3A_595 : f32 to vector<16xf32>
      %add3A_597 = arith.addf %select_n3A_555, %add3A_596 : vector<16xf32>
      %select_n3A_598 = arith.select %eq3A_591, %add3A_597, %select_n3A_555 : vector<16xi1>, vector<16xf32>
      %add3A_599 = arith.constant 7 : i32
      %add3A_600 = arith.addi %mul3A_296, %add3A_599 : i32
      %get3A_601 = arith.index_cast %add3A_600 : i32 to index
      %get3A_602 = arith.constant 0 : index
      %get3A_603 = tpu.vector_load %arg11[%get3A_601, %get3A_602] {strides = array<i32>} : memref<512x64xf32, #tpu.memory_space<vmem>>, vector<16xf32>,
      %get3A_604 = arith.index_cast %add3A_600 : i32 to index
      %get3A_605 = arith.constant 0 : index
      %get3A_606 = tpu.vector_load %arg12[%get3A_604, %get3A_605] {strides = array<i32>} : memref<512x64xf32, #tpu.memory_space<vmem>>, vector<16xf32>,
      %mul3A_607 = arith.mulf %get3A_603, %get3A_606 : vector<16xf32>
      %get3A_608 = arith.index_cast %add3A_600 : i32 to index
      %get3A_609 = arith.constant 16 : index
      %get3A_610 = tpu.vector_load %arg11[%get3A_608, %get3A_609] {strides = array<i32>} : memref<512x64xf32, #tpu.memory_space<vmem>>, vector<16xf32>,
      %get3A_611 = arith.index_cast %add3A_600 : i32 to index
      %get3A_612 = arith.constant 16 : index
      %get3A_613 = tpu.vector_load %arg12[%get3A_611, %get3A_612] {strides = array<i32>} : memref<512x64xf32, #tpu.memory_space<vmem>>, vector<16xf32>,
      %mul3A_614 = arith.mulf %get3A_610, %get3A_613 : vector<16xf32>
      %add3A_615 = arith.addf %mul3A_607, %mul3A_614 : vector<16xf32>
      %get3A_616 = arith.index_cast %add3A_600 : i32 to index
      %get3A_617 = arith.constant 32 : index
      %get3A_618 = tpu.vector_load %arg11[%get3A_616, %get3A_617] {strides = array<i32>} : memref<512x64xf32, #tpu.memory_space<vmem>>, vector<16xf32>,
      %get3A_619 = arith.index_cast %add3A_600 : i32 to index
      %get3A_620 = arith.constant 32 : index
      %get3A_621 = tpu.vector_load %arg12[%get3A_619, %get3A_620] {strides = array<i32>} : memref<512x64xf32, #tpu.memory_space<vmem>>, vector<16xf32>,
      %mul3A_622 = arith.mulf %get3A_618, %get3A_621 : vector<16xf32>
      %add3A_623 = arith.addf %add3A_615, %mul3A_622 : vector<16xf32>
      %get3A_624 = arith.index_cast %add3A_600 : i32 to index
      %get3A_625 = arith.constant 48 : index
      %get3A_626 = tpu.vector_load %arg11[%get3A_624, %get3A_625] {strides = array<i32>} : memref<512x64xf32, #tpu.memory_space<vmem>>, vector<16xf32>,
      %get3A_627 = arith.index_cast %add3A_600 : i32 to index
      %get3A_628 = arith.constant 48 : index
      %get3A_629 = tpu.vector_load %arg12[%get3A_627, %get3A_628] {strides = array<i32>} : memref<512x64xf32, #tpu.memory_space<vmem>>, vector<16xf32>,
      %mul3A_630 = arith.mulf %get3A_626, %get3A_629 : vector<16xf32>
      %add3A_631 = arith.addf %add3A_623, %mul3A_630 : vector<16xf32>
      %eq3A_632 = arith.constant 7 : i32
      %eq3A_633 = vector.broadcast %eq3A_632 : i32 to vector<16xi32>
      %eq3A_634 = arith.cmpi eq, %iota3A, %eq3A_633 : vector<16xi32>
      %reduce_sum3A_635 = arith.constant true
      %reduce_sum3A_636 = vector.broadcast %reduce_sum3A_635 : i1 to vector<16xi1>
      %reduce_sum3A_637 = tpu.scan <sum>, %add3A_631 masked %reduce_sum3A_636 : vector<16xf32>, vector<16xi1> -> vector<16xf32>
      %reduce_sum3A_638 = vector.extract %reduce_sum3A_637[15] : f32 from vector<16xf32>
      %add3A_639 = vector.broadcast %reduce_sum3A_638 : f32 to vector<16xf32>
      %add3A_640 = arith.addf %select_n3A_598, %add3A_639 : vector<16xf32>
      %select_n3A_641 = arith.select %eq3A_634, %add3A_640, %select_n3A_598 : vector<16xi1>, vector<16xf32>
      %add3A_642 = arith.constant 8 : i32
      %add3A_643 = arith.addi %mul3A_296, %add3A_642 : i32
      %get3A_644 = arith.index_cast %add3A_643 : i32 to index
      %get3A_645 = arith.constant 0 : index
      %get3A_646 = tpu.vector_load %arg11[%get3A_644, %get3A_645] {strides = array<i32>} : memref<512x64xf32, #tpu.memory_space<vmem>>, vector<16xf32>,
      %get3A_647 = arith.index_cast %add3A_643 : i32 to index
      %get3A_648 = arith.constant 0 : index
      %get3A_649 = tpu.vector_load %arg12[%get3A_647, %get3A_648] {strides = array<i32>} : memref<512x64xf32, #tpu.memory_space<vmem>>, vector<16xf32>,
      %mul3A_650 = arith.mulf %get3A_646, %get3A_649 : vector<16xf32>
      %get3A_651 = arith.index_cast %add3A_643 : i32 to index
      %get3A_652 = arith.constant 16 : index
      %get3A_653 = tpu.vector_load %arg11[%get3A_651, %get3A_652] {strides = array<i32>} : memref<512x64xf32, #tpu.memory_space<vmem>>, vector<16xf32>,
      %get3A_654 = arith.index_cast %add3A_643 : i32 to index
      %get3A_655 = arith.constant 16 : index
      %get3A_656 = tpu.vector_load %arg12[%get3A_654, %get3A_655] {strides = array<i32>} : memref<512x64xf32, #tpu.memory_space<vmem>>, vector<16xf32>,
      %mul3A_657 = arith.mulf %get3A_653, %get3A_656 : vector<16xf32>
      %add3A_658 = arith.addf %mul3A_650, %mul3A_657 : vector<16xf32>
      %get3A_659 = arith.index_cast %add3A_643 : i32 to index
      %get3A_660 = arith.constant 32 : index
      %get3A_661 = tpu.vector_load %arg11[%get3A_659, %get3A_660] {strides = array<i32>} : memref<512x64xf32, #tpu.memory_space<vmem>>, vector<16xf32>,
      %get3A_662 = arith.index_cast %add3A_643 : i32 to index
      %get3A_663 = arith.constant 32 : index
      %get3A_664 = tpu.vector_load %arg12[%get3A_662, %get3A_663] {strides = array<i32>} : memref<512x64xf32, #tpu.memory_space<vmem>>, vector<16xf32>,
      %mul3A_665 = arith.mulf %get3A_661, %get3A_664 : vector<16xf32>
      %add3A_666 = arith.addf %add3A_658, %mul3A_665 : vector<16xf32>
      %get3A_667 = arith.index_cast %add3A_643 : i32 to index
      %get3A_668 = arith.constant 48 : index
      %get3A_669 = tpu.vector_load %arg11[%get3A_667, %get3A_668] {strides = array<i32>} : memref<512x64xf32, #tpu.memory_space<vmem>>, vector<16xf32>,
      %get3A_670 = arith.index_cast %add3A_643 : i32 to index
      %get3A_671 = arith.constant 48 : index
      %get3A_672 = tpu.vector_load %arg12[%get3A_670, %get3A_671] {strides = array<i32>} : memref<512x64xf32, #tpu.memory_space<vmem>>, vector<16xf32>,
      %mul3A_673 = arith.mulf %get3A_669, %get3A_672 : vector<16xf32>
      %add3A_674 = arith.addf %add3A_666, %mul3A_673 : vector<16xf32>
      %eq3A_675 = arith.constant 8 : i32
      %eq3A_676 = vector.broadcast %eq3A_675 : i32 to vector<16xi32>
      %eq3A_677 = arith.cmpi eq, %iota3A, %eq3A_676 : vector<16xi32>
      %reduce_sum3A_678 = arith.constant true
      %reduce_sum3A_679 = vector.broadcast %reduce_sum3A_678 : i1 to vector<16xi1>
      %reduce_sum3A_680 = tpu.scan <sum>, %add3A_674 masked %reduce_sum3A_679 : vector<16xf32>, vector<16xi1> -> vector<16xf32>
      %reduce_sum3A_681 = vector.extract %reduce_sum3A_680[15] : f32 from vector<16xf32>
      %add3A_682 = vector.broadcast %reduce_sum3A_681 : f32 to vector<16xf32>
      %add3A_683 = arith.addf %select_n3A_641, %add3A_682 : vector<16xf32>
      %select_n3A_684 = arith.select %eq3A_677, %add3A_683, %select_n3A_641 : vector<16xi1>, vector<16xf32>
      %add3A_685 = arith.constant 9 : i32
      %add3A_686 = arith.addi %mul3A_296, %add3A_685 : i32
      %get3A_687 = arith.index_cast %add3A_686 : i32 to index
      %get3A_688 = arith.constant 0 : index
      %get3A_689 = tpu.vector_load %arg11[%get3A_687, %get3A_688] {strides = array<i32>} : memref<512x64xf32, #tpu.memory_space<vmem>>, vector<16xf32>,
      %get3A_690 = arith.index_cast %add3A_686 : i32 to index
      %get3A_691 = arith.constant 0 : index
      %get3A_692 = tpu.vector_load %arg12[%get3A_690, %get3A_691] {strides = array<i32>} : memref<512x64xf32, #tpu.memory_space<vmem>>, vector<16xf32>,
      %mul3A_693 = arith.mulf %get3A_689, %get3A_692 : vector<16xf32>
      %get3A_694 = arith.index_cast %add3A_686 : i32 to index
      %get3A_695 = arith.constant 16 : index
      %get3A_696 = tpu.vector_load %arg11[%get3A_694, %get3A_695] {strides = array<i32>} : memref<512x64xf32, #tpu.memory_space<vmem>>, vector<16xf32>,
      %get3A_697 = arith.index_cast %add3A_686 : i32 to index
      %get3A_698 = arith.constant 16 : index
      %get3A_699 = tpu.vector_load %arg12[%get3A_697, %get3A_698] {strides = array<i32>} : memref<512x64xf32, #tpu.memory_space<vmem>>, vector<16xf32>,
      %mul3A_700 = arith.mulf %get3A_696, %get3A_699 : vector<16xf32>
      %add3A_701 = arith.addf %mul3A_693, %mul3A_700 : vector<16xf32>
      %get3A_702 = arith.index_cast %add3A_686 : i32 to index
      %get3A_703 = arith.constant 32 : index
      %get3A_704 = tpu.vector_load %arg11[%get3A_702, %get3A_703] {strides = array<i32>} : memref<512x64xf32, #tpu.memory_space<vmem>>, vector<16xf32>,
      %get3A_705 = arith.index_cast %add3A_686 : i32 to index
      %get3A_706 = arith.constant 32 : index
      %get3A_707 = tpu.vector_load %arg12[%get3A_705, %get3A_706] {strides = array<i32>} : memref<512x64xf32, #tpu.memory_space<vmem>>, vector<16xf32>,
      %mul3A_708 = arith.mulf %get3A_704, %get3A_707 : vector<16xf32>
      %add3A_709 = arith.addf %add3A_701, %mul3A_708 : vector<16xf32>
      %get3A_710 = arith.index_cast %add3A_686 : i32 to index
      %get3A_711 = arith.constant 48 : index
      %get3A_712 = tpu.vector_load %arg11[%get3A_710, %get3A_711] {strides = array<i32>} : memref<512x64xf32, #tpu.memory_space<vmem>>, vector<16xf32>,
      %get3A_713 = arith.index_cast %add3A_686 : i32 to index
      %get3A_714 = arith.constant 48 : index
      %get3A_715 = tpu.vector_load %arg12[%get3A_713, %get3A_714] {strides = array<i32>} : memref<512x64xf32, #tpu.memory_space<vmem>>, vector<16xf32>,
      %mul3A_716 = arith.mulf %get3A_712, %get3A_715 : vector<16xf32>
      %add3A_717 = arith.addf %add3A_709, %mul3A_716 : vector<16xf32>
      %eq3A_718 = arith.constant 9 : i32
      %eq3A_719 = vector.broadcast %eq3A_718 : i32 to vector<16xi32>
      %eq3A_720 = arith.cmpi eq, %iota3A, %eq3A_719 : vector<16xi32>
      %reduce_sum3A_721 = arith.constant true
      %reduce_sum3A_722 = vector.broadcast %reduce_sum3A_721 : i1 to vector<16xi1>
      %reduce_sum3A_723 = tpu.scan <sum>, %add3A_717 masked %reduce_sum3A_722 : vector<16xf32>, vector<16xi1> -> vector<16xf32>
      %reduce_sum3A_724 = vector.extract %reduce_sum3A_723[15] : f32 from vector<16xf32>
      %add3A_725 = vector.broadcast %reduce_sum3A_724 : f32 to vector<16xf32>
      %add3A_726 = arith.addf %select_n3A_684, %add3A_725 : vector<16xf32>
      %select_n3A_727 = arith.select %eq3A_720, %add3A_726, %select_n3A_684 : vector<16xi1>, vector<16xf32>
      %add3A_728 = arith.constant 10 : i32
      %add3A_729 = arith.addi %mul3A_296, %add3A_728 : i32
      %get3A_730 = arith.index_cast %add3A_729 : i32 to index
      %get3A_731 = arith.constant 0 : index
      %get3A_732 = tpu.vector_load %arg11[%get3A_730, %get3A_731] {strides = array<i32>} : memref<512x64xf32, #tpu.memory_space<vmem>>, vector<16xf32>,
      %get3A_733 = arith.index_cast %add3A_729 : i32 to index
      %get3A_734 = arith.constant 0 : index
      %get3A_735 = tpu.vector_load %arg12[%get3A_733, %get3A_734] {strides = array<i32>} : memref<512x64xf32, #tpu.memory_space<vmem>>, vector<16xf32>,
      %mul3A_736 = arith.mulf %get3A_732, %get3A_735 : vector<16xf32>
      %get3A_737 = arith.index_cast %add3A_729 : i32 to index
      %get3A_738 = arith.constant 16 : index
      %get3A_739 = tpu.vector_load %arg11[%get3A_737, %get3A_738] {strides = array<i32>} : memref<512x64xf32, #tpu.memory_space<vmem>>, vector<16xf32>,
      %get3A_740 = arith.index_cast %add3A_729 : i32 to index
      %get3A_741 = arith.constant 16 : index
      %get3A_742 = tpu.vector_load %arg12[%get3A_740, %get3A_741] {strides = array<i32>} : memref<512x64xf32, #tpu.memory_space<vmem>>, vector<16xf32>,
      %mul3A_743 = arith.mulf %get3A_739, %get3A_742 : vector<16xf32>
      %add3A_744 = arith.addf %mul3A_736, %mul3A_743 : vector<16xf32>
      %get3A_745 = arith.index_cast %add3A_729 : i32 to index
      %get3A_746 = arith.constant 32 : index
      %get3A_747 = tpu.vector_load %arg11[%get3A_745, %get3A_746] {strides = array<i32>} : memref<512x64xf32, #tpu.memory_space<vmem>>, vector<16xf32>,
      %get3A_748 = arith.index_cast %add3A_729 : i32 to index
      %get3A_749 = arith.constant 32 : index
      %get3A_750 = tpu.vector_load %arg12[%get3A_748, %get3A_749] {strides = array<i32>} : memref<512x64xf32, #tpu.memory_space<vmem>>, vector<16xf32>,
      %mul3A_751 = arith.mulf %get3A_747, %get3A_750 : vector<16xf32>
      %add3A_752 = arith.addf %add3A_744, %mul3A_751 : vector<16xf32>
      %get3A_753 = arith.index_cast %add3A_729 : i32 to index
      %get3A_754 = arith.constant 48 : index
      %get3A_755 = tpu.vector_load %arg11[%get3A_753, %get3A_754] {strides = array<i32>} : memref<512x64xf32, #tpu.memory_space<vmem>>, vector<16xf32>,
      %get3A_756 = arith.index_cast %add3A_729 : i32 to index
      %get3A_757 = arith.constant 48 : index
      %get3A_758 = tpu.vector_load %arg12[%get3A_756, %get3A_757] {strides = array<i32>} : memref<512x64xf32, #tpu.memory_space<vmem>>, vector<16xf32>,
      %mul3A_759 = arith.mulf %get3A_755, %get3A_758 : vector<16xf32>
      %add3A_760 = arith.addf %add3A_752, %mul3A_759 : vector<16xf32>
      %eq3A_761 = arith.constant 10 : i32
      %eq3A_762 = vector.broadcast %eq3A_761 : i32 to vector<16xi32>
      %eq3A_763 = arith.cmpi eq, %iota3A, %eq3A_762 : vector<16xi32>
      %reduce_sum3A_764 = arith.constant true
      %reduce_sum3A_765 = vector.broadcast %reduce_sum3A_764 : i1 to vector<16xi1>
      %reduce_sum3A_766 = tpu.scan <sum>, %add3A_760 masked %reduce_sum3A_765 : vector<16xf32>, vector<16xi1> -> vector<16xf32>
      %reduce_sum3A_767 = vector.extract %reduce_sum3A_766[15] : f32 from vector<16xf32>
      %add3A_768 = vector.broadcast %reduce_sum3A_767 : f32 to vector<16xf32>
      %add3A_769 = arith.addf %select_n3A_727, %add3A_768 : vector<16xf32>
      %select_n3A_770 = arith.select %eq3A_763, %add3A_769, %select_n3A_727 : vector<16xi1>, vector<16xf32>
      %add3A_771 = arith.constant 11 : i32
      %add3A_772 = arith.addi %mul3A_296, %add3A_771 : i32
      %get3A_773 = arith.index_cast %add3A_772 : i32 to index
      %get3A_774 = arith.constant 0 : index
      %get3A_775 = tpu.vector_load %arg11[%get3A_773, %get3A_774] {strides = array<i32>} : memref<512x64xf32, #tpu.memory_space<vmem>>, vector<16xf32>,
      %get3A_776 = arith.index_cast %add3A_772 : i32 to index
      %get3A_777 = arith.constant 0 : index
      %get3A_778 = tpu.vector_load %arg12[%get3A_776, %get3A_777] {strides = array<i32>} : memref<512x64xf32, #tpu.memory_space<vmem>>, vector<16xf32>,
      %mul3A_779 = arith.mulf %get3A_775, %get3A_778 : vector<16xf32>
      %get3A_780 = arith.index_cast %add3A_772 : i32 to index
      %get3A_781 = arith.constant 16 : index
      %get3A_782 = tpu.vector_load %arg11[%get3A_780, %get3A_781] {strides = array<i32>} : memref<512x64xf32, #tpu.memory_space<vmem>>, vector<16xf32>,
      %get3A_783 = arith.index_cast %add3A_772 : i32 to index
      %get3A_784 = arith.constant 16 : index
      %get3A_785 = tpu.vector_load %arg12[%get3A_783, %get3A_784] {strides = array<i32>} : memref<512x64xf32, #tpu.memory_space<vmem>>, vector<16xf32>,
      %mul3A_786 = arith.mulf %get3A_782, %get3A_785 : vector<16xf32>
      %add3A_787 = arith.addf %mul3A_779, %mul3A_786 : vector<16xf32>
      %get3A_788 = arith.index_cast %add3A_772 : i32 to index
      %get3A_789 = arith.constant 32 : index
      %get3A_790 = tpu.vector_load %arg11[%get3A_788, %get3A_789] {strides = array<i32>} : memref<512x64xf32, #tpu.memory_space<vmem>>, vector<16xf32>,
      %get3A_791 = arith.index_cast %add3A_772 : i32 to index
      %get3A_792 = arith.constant 32 : index
      %get3A_793 = tpu.vector_load %arg12[%get3A_791, %get3A_792] {strides = array<i32>} : memref<512x64xf32, #tpu.memory_space<vmem>>, vector<16xf32>,
      %mul3A_794 = arith.mulf %get3A_790, %get3A_793 : vector<16xf32>
      %add3A_795 = arith.addf %add3A_787, %mul3A_794 : vector<16xf32>
      %get3A_796 = arith.index_cast %add3A_772 : i32 to index
      %get3A_797 = arith.constant 48 : index
      %get3A_798 = tpu.vector_load %arg11[%get3A_796, %get3A_797] {strides = array<i32>} : memref<512x64xf32, #tpu.memory_space<vmem>>, vector<16xf32>,
      %get3A_799 = arith.index_cast %add3A_772 : i32 to index
      %get3A_800 = arith.constant 48 : index
      %get3A_801 = tpu.vector_load %arg12[%get3A_799, %get3A_800] {strides = array<i32>} : memref<512x64xf32, #tpu.memory_space<vmem>>, vector<16xf32>,
      %mul3A_802 = arith.mulf %get3A_798, %get3A_801 : vector<16xf32>
      %add3A_803 = arith.addf %add3A_795, %mul3A_802 : vector<16xf32>
      %eq3A_804 = arith.constant 11 : i32
      %eq3A_805 = vector.broadcast %eq3A_804 : i32 to vector<16xi32>
      %eq3A_806 = arith.cmpi eq, %iota3A, %eq3A_805 : vector<16xi32>
      %reduce_sum3A_807 = arith.constant true
      %reduce_sum3A_808 = vector.broadcast %reduce_sum3A_807 : i1 to vector<16xi1>
      %reduce_sum3A_809 = tpu.scan <sum>, %add3A_803 masked %reduce_sum3A_808 : vector<16xf32>, vector<16xi1> -> vector<16xf32>
      %reduce_sum3A_810 = vector.extract %reduce_sum3A_809[15] : f32 from vector<16xf32>
      %add3A_811 = vector.broadcast %reduce_sum3A_810 : f32 to vector<16xf32>
      %add3A_812 = arith.addf %select_n3A_770, %add3A_811 : vector<16xf32>
      %select_n3A_813 = arith.select %eq3A_806, %add3A_812, %select_n3A_770 : vector<16xi1>, vector<16xf32>
      %add3A_814 = arith.constant 12 : i32
      %add3A_815 = arith.addi %mul3A_296, %add3A_814 : i32
      %get3A_816 = arith.index_cast %add3A_815 : i32 to index
      %get3A_817 = arith.constant 0 : index
      %get3A_818 = tpu.vector_load %arg11[%get3A_816, %get3A_817] {strides = array<i32>} : memref<512x64xf32, #tpu.memory_space<vmem>>, vector<16xf32>,
      %get3A_819 = arith.index_cast %add3A_815 : i32 to index
      %get3A_820 = arith.constant 0 : index
      %get3A_821 = tpu.vector_load %arg12[%get3A_819, %get3A_820] {strides = array<i32>} : memref<512x64xf32, #tpu.memory_space<vmem>>, vector<16xf32>,
      %mul3A_822 = arith.mulf %get3A_818, %get3A_821 : vector<16xf32>
      %get3A_823 = arith.index_cast %add3A_815 : i32 to index
      %get3A_824 = arith.constant 16 : index
      %get3A_825 = tpu.vector_load %arg11[%get3A_823, %get3A_824] {strides = array<i32>} : memref<512x64xf32, #tpu.memory_space<vmem>>, vector<16xf32>,
      %get3A_826 = arith.index_cast %add3A_815 : i32 to index
      %get3A_827 = arith.constant 16 : index
      %get3A_828 = tpu.vector_load %arg12[%get3A_826, %get3A_827] {strides = array<i32>} : memref<512x64xf32, #tpu.memory_space<vmem>>, vector<16xf32>,
      %mul3A_829 = arith.mulf %get3A_825, %get3A_828 : vector<16xf32>
      %add3A_830 = arith.addf %mul3A_822, %mul3A_829 : vector<16xf32>
      %get3A_831 = arith.index_cast %add3A_815 : i32 to index
      %get3A_832 = arith.constant 32 : index
      %get3A_833 = tpu.vector_load %arg11[%get3A_831, %get3A_832] {strides = array<i32>} : memref<512x64xf32, #tpu.memory_space<vmem>>, vector<16xf32>,
      %get3A_834 = arith.index_cast %add3A_815 : i32 to index
      %get3A_835 = arith.constant 32 : index
      %get3A_836 = tpu.vector_load %arg12[%get3A_834, %get3A_835] {strides = array<i32>} : memref<512x64xf32, #tpu.memory_space<vmem>>, vector<16xf32>,
      %mul3A_837 = arith.mulf %get3A_833, %get3A_836 : vector<16xf32>
      %add3A_838 = arith.addf %add3A_830, %mul3A_837 : vector<16xf32>
      %get3A_839 = arith.index_cast %add3A_815 : i32 to index
      %get3A_840 = arith.constant 48 : index
      %get3A_841 = tpu.vector_load %arg11[%get3A_839, %get3A_840] {strides = array<i32>} : memref<512x64xf32, #tpu.memory_space<vmem>>, vector<16xf32>,
      %get3A_842 = arith.index_cast %add3A_815 : i32 to index
      %get3A_843 = arith.constant 48 : index
      %get3A_844 = tpu.vector_load %arg12[%get3A_842, %get3A_843] {strides = array<i32>} : memref<512x64xf32, #tpu.memory_space<vmem>>, vector<16xf32>,
      %mul3A_845 = arith.mulf %get3A_841, %get3A_844 : vector<16xf32>
      %add3A_846 = arith.addf %add3A_838, %mul3A_845 : vector<16xf32>
      %eq3A_847 = arith.constant 12 : i32
      %eq3A_848 = vector.broadcast %eq3A_847 : i32 to vector<16xi32>
      %eq3A_849 = arith.cmpi eq, %iota3A, %eq3A_848 : vector<16xi32>
      %reduce_sum3A_850 = arith.constant true
      %reduce_sum3A_851 = vector.broadcast %reduce_sum3A_850 : i1 to vector<16xi1>
      %reduce_sum3A_852 = tpu.scan <sum>, %add3A_846 masked %reduce_sum3A_851 : vector<16xf32>, vector<16xi1> -> vector<16xf32>
      %reduce_sum3A_853 = vector.extract %reduce_sum3A_852[15] : f32 from vector<16xf32>
      %add3A_854 = vector.broadcast %reduce_sum3A_853 : f32 to vector<16xf32>
      %add3A_855 = arith.addf %select_n3A_813, %add3A_854 : vector<16xf32>
      %select_n3A_856 = arith.select %eq3A_849, %add3A_855, %select_n3A_813 : vector<16xi1>, vector<16xf32>
      %add3A_857 = arith.constant 13 : i32
      %add3A_858 = arith.addi %mul3A_296, %add3A_857 : i32
      %get3A_859 = arith.index_cast %add3A_858 : i32 to index
      %get3A_860 = arith.constant 0 : index
      %get3A_861 = tpu.vector_load %arg11[%get3A_859, %get3A_860] {strides = array<i32>} : memref<512x64xf32, #tpu.memory_space<vmem>>, vector<16xf32>,
      %get3A_862 = arith.index_cast %add3A_858 : i32 to index
      %get3A_863 = arith.constant 0 : index
      %get3A_864 = tpu.vector_load %arg12[%get3A_862, %get3A_863] {strides = array<i32>} : memref<512x64xf32, #tpu.memory_space<vmem>>, vector<16xf32>,
      %mul3A_865 = arith.mulf %get3A_861, %get3A_864 : vector<16xf32>
      %get3A_866 = arith.index_cast %add3A_858 : i32 to index
      %get3A_867 = arith.constant 16 : index
      %get3A_868 = tpu.vector_load %arg11[%get3A_866, %get3A_867] {strides = array<i32>} : memref<512x64xf32, #tpu.memory_space<vmem>>, vector<16xf32>,
      %get3A_869 = arith.index_cast %add3A_858 : i32 to index
      %get3A_870 = arith.constant 16 : index
      %get3A_871 = tpu.vector_load %arg12[%get3A_869, %get3A_870] {strides = array<i32>} : memref<512x64xf32, #tpu.memory_space<vmem>>, vector<16xf32>,
      %mul3A_872 = arith.mulf %get3A_868, %get3A_871 : vector<16xf32>
      %add3A_873 = arith.addf %mul3A_865, %mul3A_872 : vector<16xf32>
      %get3A_874 = arith.index_cast %add3A_858 : i32 to index
      %get3A_875 = arith.constant 32 : index
      %get3A_876 = tpu.vector_load %arg11[%get3A_874, %get3A_875] {strides = array<i32>} : memref<512x64xf32, #tpu.memory_space<vmem>>, vector<16xf32>,
      %get3A_877 = arith.index_cast %add3A_858 : i32 to index
      %get3A_878 = arith.constant 32 : index
      %get3A_879 = tpu.vector_load %arg12[%get3A_877, %get3A_878] {strides = array<i32>} : memref<512x64xf32, #tpu.memory_space<vmem>>, vector<16xf32>,
      %mul3A_880 = arith.mulf %get3A_876, %get3A_879 : vector<16xf32>
      %add3A_881 = arith.addf %add3A_873, %mul3A_880 : vector<16xf32>
      %get3A_882 = arith.index_cast %add3A_858 : i32 to index
      %get3A_883 = arith.constant 48 : index
      %get3A_884 = tpu.vector_load %arg11[%get3A_882, %get3A_883] {strides = array<i32>} : memref<512x64xf32, #tpu.memory_space<vmem>>, vector<16xf32>,
      %get3A_885 = arith.index_cast %add3A_858 : i32 to index
      %get3A_886 = arith.constant 48 : index
      %get3A_887 = tpu.vector_load %arg12[%get3A_885, %get3A_886] {strides = array<i32>} : memref<512x64xf32, #tpu.memory_space<vmem>>, vector<16xf32>,
      %mul3A_888 = arith.mulf %get3A_884, %get3A_887 : vector<16xf32>
      %add3A_889 = arith.addf %add3A_881, %mul3A_888 : vector<16xf32>
      %eq3A_890 = arith.constant 13 : i32
      %eq3A_891 = vector.broadcast %eq3A_890 : i32 to vector<16xi32>
      %eq3A_892 = arith.cmpi eq, %iota3A, %eq3A_891 : vector<16xi32>
      %reduce_sum3A_893 = arith.constant true
      %reduce_sum3A_894 = vector.broadcast %reduce_sum3A_893 : i1 to vector<16xi1>
      %reduce_sum3A_895 = tpu.scan <sum>, %add3A_889 masked %reduce_sum3A_894 : vector<16xf32>, vector<16xi1> -> vector<16xf32>
      %reduce_sum3A_896 = vector.extract %reduce_sum3A_895[15] : f32 from vector<16xf32>
      %add3A_897 = vector.broadcast %reduce_sum3A_896 : f32 to vector<16xf32>
      %add3A_898 = arith.addf %select_n3A_856, %add3A_897 : vector<16xf32>
      %select_n3A_899 = arith.select %eq3A_892, %add3A_898, %select_n3A_856 : vector<16xi1>, vector<16xf32>
      %add3A_900 = arith.constant 14 : i32
      %add3A_901 = arith.addi %mul3A_296, %add3A_900 : i32
      %get3A_902 = arith.index_cast %add3A_901 : i32 to index
      %get3A_903 = arith.constant 0 : index
      %get3A_904 = tpu.vector_load %arg11[%get3A_902, %get3A_903] {strides = array<i32>} : memref<512x64xf32, #tpu.memory_space<vmem>>, vector<16xf32>,
      %get3A_905 = arith.index_cast %add3A_901 : i32 to index
      %get3A_906 = arith.constant 0 : index
      %get3A_907 = tpu.vector_load %arg12[%get3A_905, %get3A_906] {strides = array<i32>} : memref<512x64xf32, #tpu.memory_space<vmem>>, vector<16xf32>,
      %mul3A_908 = arith.mulf %get3A_904, %get3A_907 : vector<16xf32>
      %get3A_909 = arith.index_cast %add3A_901 : i32 to index
      %get3A_910 = arith.constant 16 : index
      %get3A_911 = tpu.vector_load %arg11[%get3A_909, %get3A_910] {strides = array<i32>} : memref<512x64xf32, #tpu.memory_space<vmem>>, vector<16xf32>,
      %get3A_912 = arith.index_cast %add3A_901 : i32 to index
      %get3A_913 = arith.constant 16 : index
      %get3A_914 = tpu.vector_load %arg12[%get3A_912, %get3A_913] {strides = array<i32>} : memref<512x64xf32, #tpu.memory_space<vmem>>, vector<16xf32>,
      %mul3A_915 = arith.mulf %get3A_911, %get3A_914 : vector<16xf32>
      %add3A_916 = arith.addf %mul3A_908, %mul3A_915 : vector<16xf32>
      %get3A_917 = arith.index_cast %add3A_901 : i32 to index
      %get3A_918 = arith.constant 32 : index
      %get3A_919 = tpu.vector_load %arg11[%get3A_917, %get3A_918] {strides = array<i32>} : memref<512x64xf32, #tpu.memory_space<vmem>>, vector<16xf32>,
      %get3A_920 = arith.index_cast %add3A_901 : i32 to index
      %get3A_921 = arith.constant 32 : index
      %get3A_922 = tpu.vector_load %arg12[%get3A_920, %get3A_921] {strides = array<i32>} : memref<512x64xf32, #tpu.memory_space<vmem>>, vector<16xf32>,
      %mul3A_923 = arith.mulf %get3A_919, %get3A_922 : vector<16xf32>
      %add3A_924 = arith.addf %add3A_916, %mul3A_923 : vector<16xf32>
      %get3A_925 = arith.index_cast %add3A_901 : i32 to index
      %get3A_926 = arith.constant 48 : index
      %get3A_927 = tpu.vector_load %arg11[%get3A_925, %get3A_926] {strides = array<i32>} : memref<512x64xf32, #tpu.memory_space<vmem>>, vector<16xf32>,
      %get3A_928 = arith.index_cast %add3A_901 : i32 to index
      %get3A_929 = arith.constant 48 : index
      %get3A_930 = tpu.vector_load %arg12[%get3A_928, %get3A_929] {strides = array<i32>} : memref<512x64xf32, #tpu.memory_space<vmem>>, vector<16xf32>,
      %mul3A_931 = arith.mulf %get3A_927, %get3A_930 : vector<16xf32>
      %add3A_932 = arith.addf %add3A_924, %mul3A_931 : vector<16xf32>
      %eq3A_933 = arith.constant 14 : i32
      %eq3A_934 = vector.broadcast %eq3A_933 : i32 to vector<16xi32>
      %eq3A_935 = arith.cmpi eq, %iota3A, %eq3A_934 : vector<16xi32>
      %reduce_sum3A_936 = arith.constant true
      %reduce_sum3A_937 = vector.broadcast %reduce_sum3A_936 : i1 to vector<16xi1>
      %reduce_sum3A_938 = tpu.scan <sum>, %add3A_932 masked %reduce_sum3A_937 : vector<16xf32>, vector<16xi1> -> vector<16xf32>
      %reduce_sum3A_939 = vector.extract %reduce_sum3A_938[15] : f32 from vector<16xf32>
      %add3A_940 = vector.broadcast %reduce_sum3A_939 : f32 to vector<16xf32>
      %add3A_941 = arith.addf %select_n3A_899, %add3A_940 : vector<16xf32>
      %select_n3A_942 = arith.select %eq3A_935, %add3A_941, %select_n3A_899 : vector<16xi1>, vector<16xf32>
      %add3A_943 = arith.constant 15 : i32
      %add3A_944 = arith.addi %mul3A_296, %add3A_943 : i32
      %get3A_945 = arith.index_cast %add3A_944 : i32 to index
      %get3A_946 = arith.constant 0 : index
      %get3A_947 = tpu.vector_load %arg11[%get3A_945, %get3A_946] {strides = array<i32>} : memref<512x64xf32, #tpu.memory_space<vmem>>, vector<16xf32>,
      %get3A_948 = arith.index_cast %add3A_944 : i32 to index
      %get3A_949 = arith.constant 0 : index
      %get3A_950 = tpu.vector_load %arg12[%get3A_948, %get3A_949] {strides = array<i32>} : memref<512x64xf32, #tpu.memory_space<vmem>>, vector<16xf32>,
      %mul3A_951 = arith.mulf %get3A_947, %get3A_950 : vector<16xf32>
      %get3A_952 = arith.index_cast %add3A_944 : i32 to index
      %get3A_953 = arith.constant 16 : index
      %get3A_954 = tpu.vector_load %arg11[%get3A_952, %get3A_953] {strides = array<i32>} : memref<512x64xf32, #tpu.memory_space<vmem>>, vector<16xf32>,
      %get3A_955 = arith.index_cast %add3A_944 : i32 to index
      %get3A_956 = arith.constant 16 : index
      %get3A_957 = tpu.vector_load %arg12[%get3A_955, %get3A_956] {strides = array<i32>} : memref<512x64xf32, #tpu.memory_space<vmem>>, vector<16xf32>,
      %mul3A_958 = arith.mulf %get3A_954, %get3A_957 : vector<16xf32>
      %add3A_959 = arith.addf %mul3A_951, %mul3A_958 : vector<16xf32>
      %get3A_960 = arith.index_cast %add3A_944 : i32 to index
      %get3A_961 = arith.constant 32 : index
      %get3A_962 = tpu.vector_load %arg11[%get3A_960, %get3A_961] {strides = array<i32>} : memref<512x64xf32, #tpu.memory_space<vmem>>, vector<16xf32>,
      %get3A_963 = arith.index_cast %add3A_944 : i32 to index
      %get3A_964 = arith.constant 32 : index
      %get3A_965 = tpu.vector_load %arg12[%get3A_963, %get3A_964] {strides = array<i32>} : memref<512x64xf32, #tpu.memory_space<vmem>>, vector<16xf32>,
      %mul3A_966 = arith.mulf %get3A_962, %get3A_965 : vector<16xf32>
      %add3A_967 = arith.addf %add3A_959, %mul3A_966 : vector<16xf32>
      %get3A_968 = arith.index_cast %add3A_944 : i32 to index
      %get3A_969 = arith.constant 48 : index
      %get3A_970 = tpu.vector_load %arg11[%get3A_968, %get3A_969] {strides = array<i32>} : memref<512x64xf32, #tpu.memory_space<vmem>>, vector<16xf32>,
      %get3A_971 = arith.index_cast %add3A_944 : i32 to index
      %get3A_972 = arith.constant 48 : index
      %get3A_973 = tpu.vector_load %arg12[%get3A_971, %get3A_972] {strides = array<i32>} : memref<512x64xf32, #tpu.memory_space<vmem>>, vector<16xf32>,
      %mul3A_974 = arith.mulf %get3A_970, %get3A_973 : vector<16xf32>
      %add3A_975 = arith.addf %add3A_967, %mul3A_974 : vector<16xf32>
      %eq3A_976 = arith.constant 15 : i32
      %eq3A_977 = vector.broadcast %eq3A_976 : i32 to vector<16xi32>
      %eq3A_978 = arith.cmpi eq, %iota3A, %eq3A_977 : vector<16xi32>
      %reduce_sum3A_979 = arith.constant true
      %reduce_sum3A_980 = vector.broadcast %reduce_sum3A_979 : i1 to vector<16xi1>
      %reduce_sum3A_981 = tpu.scan <sum>, %add3A_975 masked %reduce_sum3A_980 : vector<16xf32>, vector<16xi1> -> vector<16xf32>
      %reduce_sum3A_982 = vector.extract %reduce_sum3A_981[15] : f32 from vector<16xf32>
      %add3A_983 = vector.broadcast %reduce_sum3A_982 : f32 to vector<16xf32>
      %add3A_984 = arith.addf %select_n3A_942, %add3A_983 : vector<16xf32>
      %select_n3A_985 = arith.select %eq3A_978, %add3A_984, %select_n3A_942 : vector<16xi1>, vector<16xf32>
      %swap3A = arith.index_cast %mul3A_296 : i32 to index
      %swap3A_986 = tpu.vector_load %arg15[%swap3A] {strides = array<i32>} : memref<512xf32, #tpu.memory_space<vmem>>, vector<16xf32>,
      tpu.vector_store %arg15[%swap3A], %select_n3A_985 {strides = array<i32>} : memref<512xf32, #tpu.memory_space<vmem>>, vector<16xf32>,
    }
    %scan3A_291 = arith.constant 32 : i32
    %mul3A_292 = arith.constant 512 : i32
    %mul3A_293 = arith.muli %add3A, %mul3A_292 : i32
    "tpu.region"() ({
      %run_scoped3A = tpu.sem_alloc : memref<!tpu.dma_semaphore, #tpu.memory_space<semaphore_mem>>
      %dma_start3A_294 = tpu.memref_slice %arg8[%mul3A_293] : memref<16384xf32, #tpu.memory_space<hbm>> -> memref<512xf32, #tpu.memory_space<hbm>>
      %dma_start3A_295 = tpu.memref_slice %arg8[%mul3A_293] : memref<16384xf32, #tpu.memory_space<hbm>> -> memref<512xf32, #tpu.memory_space<hbm>>
      tpu.enqueue_dma source(%arg15 : memref<512xf32, #tpu.memory_space<vmem>>) target(%dma_start3A_295 : memref<512xf32, #tpu.memory_space<hbm>>) target_semaphore(%run_scoped3A : memref<!tpu.dma_semaphore, #tpu.memory_space<semaphore_mem>>)
      %dma_wait3A_296 = tpu.memref_slice %arg8[%mul3A_293] : memref<16384xf32, #tpu.memory_space<hbm>> -> memref<512xf32, #tpu.memory_space<hbm>>
      %dma_wait3A_297 = tpu.memref_slice %arg8[%mul3A_293] : memref<16384xf32, #tpu.memory_space<hbm>> -> memref<512xf32, #tpu.memory_space<hbm>>
      tpu.wait_dma2 semaphore(%run_scoped3A : memref<!tpu.dma_semaphore, #tpu.memory_space<semaphore_mem>>) src(%arg15 : memref<512xf32, #tpu.memory_space<vmem>>) dst(%dma_wait3A_297 : memref<512xf32, #tpu.memory_space<hbm>>)
      tpu.yield
    }) : () -> ()
    return
  }
}

</mosaic_0001>

<sc_bundles>
// kernel: kernel.3.cloned.1.call-start
scs
__scs_entry_jumppad:
0x0: {  	(pc) =	sbr.rel $0x88, $3  }
0x1: {  	(tag) =	ssettag $0x0;
	lr =	simm.s32 $0x1  }
0x2: {  	[smem:$0x3F9B] =	sst lr;
	_ =	strace $0xD0000000  }
0x3: {  	_ = 	snop  }
0x4: {  	_ = 	snop  }
0x5: {  	_ = 	snop  }
0x6: {  	_ = 	snop  }
0x7: {  	_ = 	snop  }
__scs_overlays_trampoline_lowered:
0x8: {  	[smem:$0x3FAA] =	sst s0  }
0x9: {  	[smem:$0x3FAB] =	sst s1  }
0xa: {  	[smem:$0x3FAC] =	sst s2  }
0xb: {  	[smem:$0x3FAD] =	sst s3  }
0xc: {  	[smem:$0x3FAE] =	sst s4  }
0xd: {  	[smem:$0x3FAF] =	sst s5  }
0xe: {  	[smem:$0x3FB0] =	sst s6  }
0xf: {  	[smem:$0x3FB1] =	sst s7  }
0x10: {  	[smem:$0x3FB2] =	sst s8  }
0x11: {  	[smem:$0x3FB3] =	sst s9;
	s0 =	simm.s32 @!p0 $0x0  }
0x12: {  	s1 =	sld [smem:$0x3F99];
	s0 =	simm.s32 @p0 $0x1  }
0x13: {  	[smem:$0x3FB4] =	sst s0;
	s0 =	simm.s32 @!p1 $0x0  }
0x14: {  	s2 =	sld [smem:$0x3F98];
	s0 =	simm.s32 @p1 $0x1  }
0x15: {  	[smem:$0x3FB5] =	sst s0;
	s0 =	simm.s32 @!p2 $0x0  }
0x16: {  	s3 =	sld [smem:$0x3FDB];
	s0 =	simm.s32 @p2 $0x1  }
0x17: {  	s4 =	simm.s32 $0x1BF5;
	[smem:$0x3FB7] =	sst s0  }
0x18: {  	s0 =	sld [smem:$0x3F9A];
	_ =	swait.ge [sflag:s4], $0x0  }
0x19: {  	s7 =	sld [smem:$0x3F9B]  }
0x1a: {  	s8 =	sadd.s32 $0xFFFFE003, lr  }
0x1b: {  	s9 =	sadd.s32 $0xFFFFFEF7, lr;
	s5 =	simm.s32 $0xFFFFFFFF;
	p2 =	slt.u32 s8, $0xFFFFF086  }
0x1c: {  	p1 =	slt.u32 s9, $0xF7A;
	s5 =	simm.s32 @!p2 $0x0  }
0x1d: {  	s5 =	simm.s32 @p1 $0x1;
	p0 =	seq.s32 s7, s2  }
0x1e: {  	s7 =	smul.u32 @!p0 $0xF7A, s2;
	p2 =	seq.s32 @!p0 s5, $0x0  }
0x1f: {  	s9 =	smul.u32 $0xF7A, s1;
	s8 =	simm.s32 @!p0 $0x1BF5;
	p2 =	por !p2, p0  }
0x20: {  	[sflag:s8] =	ssyncset.s32 @!p0 $0xFFFFF086;
	s6 =	sadd.s32 @!p0 s3, s7;
	s7 =	simm.s32 @!p0 $0x108  }
0x21: {  	s3 =	sadd.s32 s3, s9;
	s6 =	sadd.s32 @!p0 $0x88, s6;
	s7 =	simm.s32 @p2 $0x1082  }
0x22: {  	[simem:s7], [sflag:s8] =	dma.local @!p0 [hbm:s6], $0xF7A  }
0x23: {  	s9 =	sor.u32 $0xD0000000, s2;
	s6 =	simm.s32 $0x108;
	_ =	swait.ge @!p0 [sflag:s8], $0x0  }
0x24: {  	s3 =	sadd.s32 $0x88, s3;
	s6 =	simm.s32 @!p1 $0x1082;
	[sflag:s4] =	ssyncset.s32 $0xFFFFF086  }
0x25: {  	[simem:s6], [sflag:s4] =	dma.local [hbm:s3], $0xF7A  }
0x26: {  	[smem:$0x3F9B] =	sst s1;
	(tag) =	ssettag s2;
	_ =	strace s9  }
0x27: {  	s1 =	sld [smem:$0x3FAB]  }
0x28: {  	s2 =	sld [smem:$0x3FAC]  }
0x29: {  	s4 =	sld [smem:$0x3FAE]  }
0x2a: {  	p0 =	seq.s32 s5, $0x0;
	s5 =	sld [smem:$0x3FAF]  }
0x2b: {  	s6 =	sld [smem:$0x3FB0]  }
0x2c: {  	s7 =	sld [smem:$0x3FB1]  }
0x2d: {  	s3 =	simm.s32 $0x108;
	s8 =	sld [smem:$0x3FB2]  }
0x2e: {  	s3 =	simm.s32 @!p0 $0x1082;
	s9 =	sld [smem:$0x3FB3]  }
0x2f: {  	lr =	sadd.s32 s0, s3;
	s0 =	sld [smem:$0x3FAA]  }
0x30: {  	s3 =	sld [smem:$0x3FAD]  }
0x31: {  	[smem:$0x3FB6] =	sst s10  }
0x32: {  	s10 =	sld [smem:$0x3FB4];
	_ =	sdelay $0x3  }
0x33: {  	p0 =	seq.s32 s10, $0x1;
	s10 =	sld [smem:$0x3FB6];
	_ =	sdelay $0x3  }
0x34: {  	[smem:$0x3FB6] =	sst s10  }
0x35: {  	s10 =	sld [smem:$0x3FB5];
	_ =	sdelay $0x3  }
0x36: {  	p1 =	seq.s32 s10, $0x1;
	s10 =	sld [smem:$0x3FB6];
	_ =	sdelay $0x3  }
0x37: {  	[smem:$0x3FB6] =	sst s10  }
0x38: {  	s10 =	sld [smem:$0x3FB7]  }
0x39: {  	_ = 	snop;
	(pc) =	sbr.ind lr, $3  }
0x3a: {  	_ = 	snop  }
0x3b: {  	_ = 	snop  }
0x3c: {  	p2 =	seq.s32 s10, $0x1;
	s10 =	sld [smem:$0x3FB6]  }
0x3d: {  	_ =	shalt  }
0x3e: {  	_ =	shalt  }
0x3f: {  	_ =	shalt  }
0x40: {  	_ =	shalt  }
0x41: {  	_ =	shalt  }
0x42: {  	_ =	shalt  }
0x43: {  	_ =	shalt  }
0x44: {  	_ =	shalt  }
0x45: {  	_ =	shalt  }
0x46: {  	_ =	shalt  }
0x47: {  	_ =	shalt  }
0x48: {  	_ =	shalt  }
0x49: {  	_ =	shalt  }
0x4a: {  	_ =	shalt  }
0x4b: {  	_ =	shalt  }
0x4c: {  	_ =	shalt  }
0x4d: {  	_ =	shalt  }
0x4e: {  	_ =	shalt  }
0x4f: {  	_ =	shalt  }
0x50: {  	_ =	shalt  }
0x51: {  	_ =	shalt  }
0x52: {  	_ =	shalt  }
0x53: {  	_ =	shalt  }
0x54: {  	_ =	shalt  }
0x55: {  	_ =	shalt  }
0x56: {  	_ =	shalt  }
0x57: {  	_ =	shalt  }
0x58: {  	_ =	shalt  }
0x59: {  	_ =	shalt  }
0x5a: {  	_ =	shalt  }
0x5b: {  	_ =	shalt  }
0x5c: {  	_ =	shalt  }
0x5d: {  	_ =	shalt  }
0x5e: {  	_ =	shalt  }
0x5f: {  	_ =	shalt  }
0x60: {  	_ =	shalt  }
0x61: {  	_ =	shalt  }
0x62: {  	_ =	shalt  }
0x63: {  	_ =	shalt  }
0x64: {  	_ =	shalt  }
0x65: {  	_ =	shalt  }
0x66: {  	_ =	shalt  }
0x67: {  	_ =	shalt  }
0x68: {  	_ =	shalt  }
0x69: {  	_ =	shalt  }
0x6a: {  	_ =	shalt  }
0x6b: {  	_ =	shalt  }
0x6c: {  	_ =	shalt  }
0x6d: {  	_ =	shalt  }
0x6e: {  	_ =	shalt  }
0x6f: {  	_ =	shalt  }
0x70: {  	_ =	shalt  }
0x71: {  	_ =	shalt  }
0x72: {  	_ =	shalt  }
0x73: {  	_ =	shalt  }
0x74: {  	_ =	shalt  }
0x75: {  	_ =	shalt  }
0x76: {  	_ =	shalt  }
0x77: {  	_ =	shalt  }
0x78: {  	_ =	shalt  }
0x79: {  	_ =	shalt  }
0x7a: {  	_ =	shalt  }
0x7b: {  	_ =	shalt  }
0x7c: {  	_ =	shalt  }
0x7d: {  	_ =	shalt  }
0x7e: {  	_ =	shalt  }
0x7f: {  	_ =	shalt  }
0x80: {  	_ =	shalt  }
0x81: {  	_ =	shalt  }
0x82: {  	_ =	shalt  }
0x83: {  	_ =	shalt  }
0x84: {  	_ =	shalt  }
0x85: {  	_ =	shalt  }
0x86: {  	_ =	shalt  }
0x87: {  	_ =	shalt  }
.Lfunc_end0:
.L_simem_size_0:
called_computation_lowered:
.L_overlay_start_0:
0x88: {  	s2 =	sld [smem:$0x3FD9]  }
0x89: {  	s3 =	sld [smem:$0x3FFE];
	_ =	sdelay $0x1  }
0x8a: {  	s1 =	srdreg.scid  }
0x8b: {  	s0 =	sand.u32 $0x1, s1  }
0x8c: {  	s17 =	sshll.u32 s0, $0xA;
	s2 =	sadd.s32 s3, s2  }
0x8d: {  	s2 =	sadd.s32 s2, s17  }
0x8e: {  	[smem:$0x3FC2] =	sst s2  }
0x8f: {  	_ = 	snop  }
0x90: {  	s2 =	sld [smem:$0x3FC9]  }
0x91: {  	s18 =	sld [smem:$0x3FC8]  }
0x92: {  	s4 =	sld [smem:$0x3FD0];
	(tm) =	ssettm $0x1  }
0x93: {  	s5 =	sld [smem:$0x3FFB];
	_ =	sdelay $0x3  }
0x94: {  	_ =	strace s5  }
0x95: {  	s5 =	sld [smem:$0x3FFC];
	_ =	sdelay $0x3  }
0x96: {  	_ =	strace s5  }
0x97: {  	s5 =	sld [smem:$0x3FFD];
	_ =	sdelay $0x3  }
0x98: {  	_ =	strace s5  }
0x99: {  	_ =	strace $0x8FFFFFFF  }
0x9a: {  	s19 =	sld [smem:$0x3FDB];
	_ =	sdelay $0x1  }
0x9b: {  	s6 =	simm.s32 $_scs_section_size  }
0x9c: {  	s7 =	simm.s32 $_size__tile_overlayer_lowered;
	s8 =	simm.s32 $_tile_overlayer_lowered  }
0x9d: {  	s22 =	simm.s32 $0x1BFF;
	s21 =	sshll.u32 s8, $0x1;
	s5 =	sadd.s32 s6, s19  }
0x9e: {  	s9 =	simm.s32 $0x0;
	s20 =	sshll.u32 s7, $0x1;
	s7 =	sadd.s32 s21, s5  }
0x9f: {  	[timem:s9], [sflag:s22] =	dma.local [hbm:s7], s20  }
0xa0: {  	_ =	swait.ge [sflag:s22], s20  }
0xa1: {  	s6 =	ssub.s32 $0x0, s20;
	[sflag:s22] =	ssyncset.done $0x0  }
0xa2: {  	[sflag:s22] =	ssyncadd.s32 s6;
	_ =	sdelay $0x1  }
0xa3: {  	s23 =	simm.s32 $0x1B8B  }
0xa4: {  	_ =	swait.ge [sflag:s23], $0x1  }
0xa5: {  	[sflag:s23] =	ssyncset.done $0x0  }
0xa6: {  	s25 =	simm.s32 $0x1B8E;
	s24 =	sld [smem:$0x3FFE];
	[sflag:s23] =	ssyncadd.s32 $0xFFFFFFFF  }
0xa7: {  	s26 =	simm.s32 $execute0_lowered;
	[smem:$0x3FD2] =	sst s25  }
0xa8: {  	s7 =	sshll.u32 s26, $0x1;
	_ =	strace $0x80000046;
	[dreg:$0x1] =	wrdreg $0xFFFFFFFF  }
0xa9: {  	s28 =	simm.s32 $_size_execute0_lowered;
	s5 =	sadd.s32 s5, s7;
	[dreg:$0x0] =	wrdreg $0x0  }
0xaa: {  	s7 =	sshll.u32 s28, $0x1;
	[dreg:$0x2] =	wrdreg s5  }
0xab: {  	[dreg:$0x3] =	wrdreg s7  }
0xac: {  	[dreg:$0x4] =	wrdreg $0xC0  }
0xad: {  	_ =	task [dreg:s9], $0x5FFFF  }
0xae: {  	[dreg:$0x1] =	wrdreg $0xFFFFFFFF  }
0xaf: {  	[dreg:$0x0] =	wrdreg $0x60  }
0xb0: {  	[dreg:$0x2] =	wrdreg s2  }
0xb1: {  	[dreg:$0x3] =	wrdreg s18  }
0xb2: {  	[dreg:$0x4] =	wrdreg s24  }
0xb3: {  	[dreg:$0x5] =	wrdreg s4  }
0xb4: {  	[dreg:$0x6] =	wrdreg $0x9  }
0xb5: {  	_ =	task.clear_ibuf [dreg:s9], $0x7FFFF;
	_ =	strace $0x90000046  }
0xb6: {  	s29 =	simm.s32 $0x9;
	_ =	strace $0x80000048  }
0xb7: {  	_ =	swait.ge [sflag:s29], $0x1  }
0xb8: {  	[sflag:s29] =	ssyncadd.s32 $0xFFFFFFFF  }
0xb9: {  	_ =	strace $0x90000048  }
0xba: {  	_ =	sfence  }
0xbb: {  	s30 =	sld [smem:$0x0];
	_ =	sdelay $0x2  }
0xbc: {  	s31 =	sshll.u32 s1, $0xD;
	s1 =	sshrl.u32 s1, $0x2  }
0xbd: {  	s3 =	sand.u32 $0x4000, s31;
	s1 =	sadd.s32 s1, s30  }
0xbe: {  	s0 =	sor.u32 s3, s0;
	s1 =	sshll.u32 s1, $0x11  }
0xbf: {  	s0 =	sor.u32 s1, s0  }
0xc0: {  	s0 =	sadd.s32 $0x8F2B, s0  }
0xc1: {  	[sflag:s0] =	ssyncadd.remote.s32 $0x1  }
0xc2: {  	_ =	sfence.sel $0xFFFF  }
0xc3: {  	[dreg:$0x0] =	wrdreg $0xFFFFFFFF;
	(pc) =	sbr.abs _section_cstart, $3  }
0xc4: {  	[dreg:$0x1] =	wrdreg $0xFFFFFFFF  }
0xc5: {  	_ =	task.clear_ibuf [dreg:s9], $0x2FFFF;
	_ =	strace $0x9FFFFFFF  }
0xc6: {  	(tm) =	ssettm $0x7FFFFFFF  }
0xc7: {  	_ =	shalt  }
tec
execute0_lowered:
.L_overlay_start_1:
0x0: {  	(tag) =	ssettag $0x1  }
0x1: {  	s0 =	rddreg [dreg:$0x0]  }
0x2: {  	s3 =	rddreg [dreg:$0x1]  }
0x3: {  	s1 =	rddreg [dreg:$0x2]  }
0x4: {  	s9 =	rddreg [dreg:$0x3]  }
0x5: {  	s2 =	simm.s32 $0x0;
	s5 =	srdreg.scid;
	s6 =	stileid.u32  }
0x6: {  	s12 =	simm.s32 $0x200;
	s13 =	simm.s32 $0x80;
	s15 =	simm.s32 $0x1  }
0x7: {  	s20 =	simm.s32 $0x280;
	s24 =	simm.s32 $0x100;
	s26 =	simm.s32 $0x300  }
0x8: {  	s29 =	simm.s32 $0x10500;
	s30 =	simm.s32 $0x10700;
	s31 =	simm.s32 $0x180  }
0x9: {  	vm0 =	vmmov $0x1;
	s14 =	simm.s32 $0xE400;
	s16 =	simm.s32 $0x10580;
	s17 =	simm.s32 $0x10780  }
0xa: {  	vm1 =	vcmask $0x30C;
	vm2 =	vcmask $0xF0C;
	vm3 =	vcmask $0x714;
	s18 =	simm.s32 $0x10800;
	s19 =	simm.s32 $0x0;
	[smem:$0x7FF] =	sst s2  }
0xb: {  	vm4 =	vcmask $0xF18;
	vm5 =	vcmask $0x131C;
	vm6 =	vcmask $0x1F1C;
	s4 =	sadd.s32 $0xF42400, s1;
	s5 =	sand.u32 $0x1, s5;
	s6 =	sshll.u32 s6, $0x7  }
0xc: {  	vm7 =	vcmask $0x1724;
	vm8 =	vcmask $0x1F28;
	vm9 =	vcmask $0x232C;
	_ =	strace $0x80000047;
	s7 =	ssub.s32 $0x2, s5;
	s8 =	sshll.u32 s5, $0x6  }
0xd: {  	vm10 =	vcmask $0x2F2C;
	vm11 =	vcmask $0x2734;
	vm12 =	vcmask $0x2F38;
	s5 =	sadd.s32 $0x186A00, s1;
	s10 =	sshrl.u32 s7, $0x1;
	s11 =	sor.u32 s8, s6  }
0xe: {  	vm13 =	vcmask $0x333C;
	vm14 =	vmmov $0x3fff;
	vm15 =	vmmov $0x7fff;
	s6 =	sadd.s32 $0x1EA00, s1;
	s10 =	ssub.s32 s7, s10;
	s7 =	sadd.s32 s0, s11  }
0xf: {  	vm2 =	vmor vm3, vm2;
	vm3 =	vcmask $0xB14;
	vm6 =	vmor vm7, vm6;
	s8 =	sadd.s32 s3, s11;
	s9 =	sadd.s32 s9, s11;
	s11 =	simm.s32 $0x2  }
0x10: {  	vm7 =	vcmask $0x1B24;
	vm10 =	vmor vm11, vm10;
	vm11 =	vcmask $0x2B34;
	s0 =	simm.s32 $0x6400;
	s3 =	simm.s32 $0x380;
	s10 =	smax.u32 s10, $0x1  }
.LBB2_1:
0x11: {  	[tilespmem:s2], [sflag:$0x2] =	stream.linear.gather [hbm4b:s7+s2], $0x200, $0x38;
	[tilespmem:$0x10A00] =	vst v63  }
0x12: {  	_ =	swait.ge [sflag:s11], $0x200  }
0x13: {  	[sflag:s11] =	ssyncset.done $0x0  }
0x14: {  	[sflag:s11] =	ssyncadd.s32 $0xFFFFFE00  }
0x15: {  	[tilespmem:s12], [sflag:$0x2] =	stream.linear.gather [hbm4b:s8+s2], $0x200, $0x38;
	[tilespmem:$0x10A00] =	vst v63  }
0x16: {  	_ =	swait.ge [sflag:s11], $0x200  }
0x17: {  	[sflag:s11] =	ssyncset.done $0x0  }
0x18: {  	s21 =	simm.s32 $0x400;
	[sflag:s11] =	ssyncadd.s32 $0xFFFFFE00  }
0x19: {  	[tilespmem:s21], [sflag:$0x1] =	stream.indirect.gather [hbm4b:s4+s13], $0x40, s2, s13, $0xb8;
	[tilespmem:$0x10A00] =	vst v63  }
0x1a: {  	_ =	swait.ge [sflag:s15], $0x2000  }
0x1b: {  	[sflag:s15] =	ssyncset.done $0x0  }
0x1c: {  	s28 =	simm.s32 $0x8400;
	[sflag:s15] =	ssyncadd.s32 $0xFFFFE000  }
0x1d: {  	[tilespmem:s28], [sflag:$0x1] =	stream.indirect.gather [hbm4b:s5+s13], $0x40, s12, s13, $0xb8;
	[tilespmem:$0x10A00] =	vst v63  }
0x1e: {  	_ =	swait.ge [sflag:s15], $0x2000  }
0x1f: {  	[sflag:s15] =	ssyncset.done $0x0  }
0x20: {  	s22 =	simm.s32 $0x10400;
	[sflag:s15] =	ssyncadd.s32 $0xFFFFE000  }
0x21: {  	[tilespmem:s22], [sflag:$0x1] =	stream.indirect.gather [hbm4b:s1+s13], $0x1, s2, s13, $0xb8;
	[tilespmem:$0x10A00] =	vst v63  }
0x22: {  	_ =	swait.ge [sflag:s15], $0x80  }
0x23: {  	[sflag:s15] =	ssyncset.done $0x0  }
0x24: {  	s23 =	simm.s32 $0x10600;
	[sflag:s15] =	ssyncadd.s32 $0xFFFFFF80  }
0x25: {  	[tilespmem:s23], [sflag:$0x1] =	stream.indirect.gather [hbm4b:s6+s13], $0x1, s12, s13, $0xb8;
	[tilespmem:$0x10A00] =	vst v63  }
0x26: {  	_ =	swait.ge [sflag:s15], $0x80  }
0x27: {  	[sflag:s15] =	ssyncset.done $0x0  }
0x28: {  	s25 =	simm.s32 $0x2400;
	[sflag:s15] =	ssyncadd.s32 $0xFFFFFF80  }
0x29: {  	[tilespmem:s25], [sflag:$0x1] =	stream.indirect.gather [hbm4b:s4+s13], $0x40, s13, s13, $0xb8;
	[tilespmem:$0x10A00] =	vst v63  }
0x2a: {  	_ =	swait.ge [sflag:s15], $0x2000  }
0x2b: {  	[sflag:s15] =	ssyncset.done $0x0  }
0x2c: {  	s28 =	simm.s32 $0xA400;
	[sflag:s15] =	ssyncadd.s32 $0xFFFFE000  }
0x2d: {  	[tilespmem:s28], [sflag:$0x1] =	stream.indirect.gather [hbm4b:s5+s13], $0x40, s20, s13, $0xb8;
	[tilespmem:$0x10A00] =	vst v63  }
0x2e: {  	_ =	swait.ge [sflag:s15], $0x2000  }
0x2f: {  	[sflag:s15] =	ssyncset.done $0x0  }
0x30: {  	s22 =	simm.s32 $0x10480;
	[sflag:s15] =	ssyncadd.s32 $0xFFFFE000  }
0x31: {  	[tilespmem:s22], [sflag:$0x1] =	stream.indirect.gather [hbm4b:s1+s13], $0x1, s13, s13, $0xb8;
	[tilespmem:$0x10A00] =	vst v63  }
0x32: {  	_ =	swait.ge [sflag:s15], $0x80  }
0x33: {  	[sflag:s15] =	ssyncset.done $0x0  }
0x34: {  	s23 =	simm.s32 $0x10680;
	[sflag:s15] =	ssyncadd.s32 $0xFFFFFF80  }
0x35: {  	[tilespmem:s23], [sflag:$0x1] =	stream.indirect.gather [hbm4b:s6+s13], $0x1, s20, s13, $0xb8;
	[tilespmem:$0x10A00] =	vst v63  }
0x36: {  	_ =	swait.ge [sflag:s15], $0x80  }
0x37: {  	[sflag:s15] =	ssyncset.done $0x0  }
0x38: {  	s25 =	simm.s32 $0x4400;
	[sflag:s15] =	ssyncadd.s32 $0xFFFFFF80  }
0x39: {  	[tilespmem:s25], [sflag:$0x1] =	stream.indirect.gather [hbm4b:s4+s13], $0x40, s24, s13, $0xb8;
	[tilespmem:$0x10A00] =	vst v63  }
0x3a: {  	_ =	swait.ge [sflag:s15], $0x2000  }
0x3b: {  	[sflag:s15] =	ssyncset.done $0x0  }
0x3c: {  	s28 =	simm.s32 $0xC400;
	[sflag:s15] =	ssyncadd.s32 $0xFFFFE000  }
0x3d: {  	[tilespmem:s28], [sflag:$0x1] =	stream.indirect.gather [hbm4b:s5+s13], $0x40, s26, s13, $0xb8;
	[tilespmem:$0x10A00] =	vst v63  }
0x3e: {  	_ =	swait.ge [sflag:s15], $0x2000  }
0x3f: {  	[sflag:s15] =	ssyncset.done $0x0  }
0x40: {  	[sflag:s15] =	ssyncadd.s32 $0xFFFFE000  }
0x41: {  	[tilespmem:s29], [sflag:$0x1] =	stream.indirect.gather [hbm4b:s1+s13], $0x1, s24, s13, $0xb8;
	[tilespmem:$0x10A00] =	vst v63  }
0x42: {  	_ =	swait.ge [sflag:s15], $0x80  }
0x43: {  	[sflag:s15] =	ssyncset.done $0x0  }
0x44: {  	[sflag:s15] =	ssyncadd.s32 $0xFFFFFF80  }
0x45: {  	[tilespmem:s30], [sflag:$0x1] =	stream.indirect.gather [hbm4b:s6+s13], $0x1, s26, s13, $0xb8;
	[tilespmem:$0x10A00] =	vst v63  }
0x46: {  	_ =	swait.ge [sflag:s15], $0x80  }
0x47: {  	[sflag:s15] =	ssyncset.done $0x0  }
0x48: {  	[sflag:s15] =	ssyncadd.s32 $0xFFFFFF80  }
0x49: {  	[tilespmem:s0], [sflag:$0x1] =	stream.indirect.gather [hbm4b:s4+s13], $0x40, s31, s13, $0xb8;
	[tilespmem:$0x10A00] =	vst v63  }
0x4a: {  	_ =	swait.ge [sflag:s15], $0x2000  }
0x4b: {  	[sflag:s15] =	ssyncset.done $0x0  }
0x4c: {  	[sflag:s15] =	ssyncadd.s32 $0xFFFFE000  }
0x4d: {  	[tilespmem:s14], [sflag:$0x1] =	stream.indirect.gather [hbm4b:s5+s13], $0x40, s3, s13, $0xb8;
	[tilespmem:$0x10A00] =	vst v63  }
0x4e: {  	_ =	swait.ge [sflag:s15], $0x2000  }
0x4f: {  	[sflag:s15] =	ssyncset.done $0x0  }
0x50: {  	[sflag:s15] =	ssyncadd.s32 $0xFFFFE000  }
0x51: {  	[tilespmem:s16], [sflag:$0x1] =	stream.indirect.gather [hbm4b:s1+s13], $0x1, s31, s13, $0xb8;
	[tilespmem:$0x10A00] =	vst v63  }
0x52: {  	_ =	swait.ge [sflag:s15], $0x80  }
0x53: {  	[sflag:s15] =	ssyncset.done $0x0  }
0x54: {  	[sflag:s15] =	ssyncadd.s32 $0xFFFFFF80  }
0x55: {  	[tilespmem:s17], [sflag:$0x1] =	stream.indirect.gather [hbm4b:s6+s13], $0x1, s3, s13, $0xb8;
	[tilespmem:$0x10A00] =	vst v63  }
0x56: {  	_ =	swait.ge [sflag:s15], $0x80  }
0x57: {  	[sflag:s15] =	ssyncset.done $0x0  }
0x58: {  	s21 =	simm.s32 $0x600;
	[sflag:s15] =	ssyncadd.s32 $0xFFFFFF80  }
0x59: {  	v0 =	vld [tilespmem:s21+$0x190]  }
0x5a: {  	s22 =	simm.s32 $0x8600;
	v23 =	vld [tilespmem:s21+$0xFFFFFE10]  }
0x5b: {  	v24 =	vld [tilespmem:s22+$0xFFFFFE10]  }
0x5c: {  	v22 =	vld [tilespmem:s21+$0xB0]  }
0x5d: {  	v25 =	vld [tilespmem:s22+$0xF0]  }
0x5e: {  	v26 =	vld [tilespmem:s21+$0xF0]  }
0x5f: {  	v27 =	vld [tilespmem:s22+$0xE0]  }
0x60: {  	v28 =	vld [tilespmem:s21+$0xE0]  }
0x61: {  	v29 =	vld [tilespmem:s22+$0xD0]  }
0x62: {  	[tilespmem:$0x1FFD0] =	vst v0;
	v0 =	vld [tilespmem:s22+$0x190]  }
0x63: {  	v30 =	vld [tilespmem:s21+$0xD0]  }
0x64: {  	v31 =	vld [tilespmem:s22+$0xC0]  }
0x65: {  	v32 =	vld [tilespmem:s21+$0xC0]  }
0x66: {  	v33 =	vld [tilespmem:s22+$0xB0]  }
0x67: {  	[tilespmem:$0x1FFE0] =	vst v0;
	v0 =	vld [tilespmem:s22+$0x180]  }
0x68: {  	v34 =	vld [tilespmem:s22+$0xA0]  }
0x69: {  	v35 =	vld [tilespmem:s21+$0xA0]  }
0x6a: {  	v36 =	vld [tilespmem:s22+$0x90]  }
0x6b: {  	v37 =	vld [tilespmem:s21+$0x90]  }
0x6c: {  	[tilespmem:$0x1FFF0] =	vst v0;
	v0 =	vld [tilespmem:s22+$0x100]  }
0x6d: {  	v38 =	vld [tilespmem:s22+$0x80]  }
0x6e: {  	v39 =	vld [tilespmem:s21+$0x80]  }
0x6f: {  	v18 =	vld [tilespmem:s21+$0x50]  }
0x70: {  	v19 =	vld [tilespmem:s22+$0x10]  }
0x71: {  	[tilespmem:$0x1FF90] =	vst v0;
	v0 =	vld [tilespmem:s21+$0x70]  }
0x72: {  	v20 =	vld [tilespmem:s21+$0x10]  }
0x73: {  	v40 =	vld [tilespmem:s22+$0xFFFFFFF0]  }
0x74: {  	v41 =	vld [tilespmem:s21+$0xFFFFFFF0]  }
0x75: {  	v42 =	vld [tilespmem:s22+$0xFFFFFFE0]  }
0x76: {  	[tilespmem:$0x1FF70] =	vst v0;
	v0 =	vld [tilespmem:s22+$0x160]  }
0x77: {  	v43 =	vld [tilespmem:s21+$0xFFFFFFE0]  }
0x78: {  	v44 =	vld [tilespmem:s22+$0xFFFFFFD0]  }
0x79: {  	v45 =	vld [tilespmem:s21+$0xFFFFFFD0]  }
0x7a: {  	v46 =	vld [tilespmem:s22+$0xFFFFFFC0]  }
0x7b: {  	[tilespmem:$0x1FFB0] =	vst v0;
	v0 =	vld [tilespmem:s22+$0x120]  }
0x7c: {  	v47 =	vld [tilespmem:s21+$0xFFFFFFC0]  }
0x7d: {  	v21 =	vld [tilespmem:s22+$0xFFFFFF70]  }
0x7e: {  	v48 =	vld [tilespmem:s22+$0xFFFFFFB0]  }
0x7f: {  	v49 =	vld [tilespmem:s21+$0xFFFFFFB0]  }
0x80: {  	[tilespmem:$0x1FFC0] =	vst v0;
	v0 =	vld [tilespmem:s22+$0x150]  }
0x81: {  	v50 =	vld [tilespmem:s22+$0xFFFFFFA0]  }
0x82: {  	v51 =	vld [tilespmem:s21+$0xFFFFFFA0]  }
0x83: {  	v52 =	vld [tilespmem:s22+$0xFFFFFF90]  }
0x84: {  	v53 =	vld [tilespmem:s21+$0xFFFFFF90]  }
0x85: {  	[tilespmem:$0x1FF10] =	vst v0;
	v0 =	vld [tilespmem:s21+$0x150]  }
0x86: {  	v54 =	vld [tilespmem:s22+$0xFFFFFF80]  }
0x87: {  	v55 =	vld [tilespmem:s21+$0xFFFFFF80]  }
0x88: {  	v56 =	vld [tilespmem:s22+$0xFFFFFF30]  }
0x89: {  	v57 =	vld [tilespmem:s22+$0xFFFFFF60]  }
0x8a: {  	[tilespmem:$0x1FF20] =	vst v0;
	v0 =	vld [tilespmem:s22+$0x140]  }
0x8b: {  	v58 =	vld [tilespmem:s22+$0xFFFFFF20]  }
0x8c: {  	v59 =	vld [tilespmem:s22+$0xFFFFFF50]  }
0x8d: {  	v60 =	vld [tilespmem:s21+$0xFFFFFF50]  }
0x8e: {  	v61 =	vld [tilespmem:s22+$0xFFFFFF40]  }
0x8f: {  	[tilespmem:$0x1FFA0] =	vst v0;
	v0 =	vld [tilespmem:s22+$0x110]  }
0x90: {  	v62 =	vld [tilespmem:s22+$0xFFFFFF10]  }
0x91: {  	v63 =	vld [tilespmem:s21+$0xFFFFFF10]  }
0x92: {  	v15 =	vld [tilespmem:s22+$0xFFFFFEF0]  }
0x93: {  	v14 =	vld [tilespmem:s21+$0xFFFFFEF0]  }
0x94: {  	[tilespmem:$0x1FF50] =	vst v0;
	v0 =	vld [tilespmem:s21+$0x110]  }
0x95: {  	v13 =	vld [tilespmem:s22+$0xFFFFFEE0]  }
0x96: {  	v10 =	vld [tilespmem:s21+$0xFFFFFEE0]  }
0x97: {  	v7 =	vld [tilespmem:s22+$0xFFFFFED0]  }
0x98: {  	v6 =	vld [tilespmem:s21+$0xFFFFFED0]  }
0x99: {  	[tilespmem:$0x1FF60] =	vst v0;
	v0 =	vld [tilespmem:s22+$0x70]  }
0x9a: {  	v5 =	vld [tilespmem:s22+$0xFFFFFEC0]  }
0x9b: {  	v4 =	vld [tilespmem:s21+$0xFFFFFEC0]  }
0x9c: {  	v17 =	vld [tilespmem:s22+$0xFFFFFE70]  }
0x9d: {  	v12 =	vld [tilespmem:s22+$0xFFFFFEB0]  }
0x9e: {  	[tilespmem:$0x1FF80] =	vst v0;
	v0 =	vld [tilespmem:s22+$0x30]  }
0x9f: {  	v11 =	vld [tilespmem:s21+$0xFFFFFEB0]  }
0xa0: {  	v9 =	vld [tilespmem:s22+$0xFFFFFEA0]  }
0xa1: {  	v8 =	vld [tilespmem:s21+$0xFFFFFEA0]  }
0xa2: {  	v3 =	vld [tilespmem:s22+$0xFFFFFE90]  }
0xa3: {  	[tilespmem:$0x1FF40] =	vst v0;
	v0 =	vld [tilespmem:s22+$0x60]  }
0xa4: {  	v2 =	vld [tilespmem:s21+$0xFFFFFE90]  }
0xa5: {  	v1 =	vld [tilespmem:s22+$0xFFFFFE80]  }
0xa6: {  	v16 =	vld [tilespmem:s22+$0xFFFFFE30]  }
0xa7: {  	v29 =	vmul.f32 v29, v30;
	v30 =	vmul.f32 v31, v32;
	v31 =	vld [tilespmem:s22+$0xFFFFFE60]  }
0xa8: {  	[tilespmem:$0x1FF30] =	vst v0;
	v0 =	vld [tilespmem:s22+$0x20]  }
0xa9: {  	v23 =	vmul.f32 v24, v23;
	v24 =	vmul.f32 v27, v28;
	v27 =	vld [tilespmem:s22+$0xFFFFFE20]  }
0xaa: {  	v25 =	vmul.f32 v25, v26;
	v26 =	vld [tilespmem:s22+$0xFFFFFE50]  }
0xab: {  	v4 =	vmul.f32 v5, v4;
	v5 =	vld [tilespmem:s21+$0xFFFFFE60]  }
0xac: {  	v53 =	vmul.f32 v52, v53;
	v52 =	vmul.f32 v50, v51;
	v50 =	vld [tilespmem:s21+$0xFFFFFF20]  }
0xad: {  	[tilespmem:$0x1FF00] =	vst v0;
	v0 =	vld [tilespmem:s22+$0x50]  }
0xae: {  	v51 =	vld [tilespmem:s21+$0xFFFFFF60]  }
0xaf: {  	v32 =	vmul.f32 v38, v39;
	v38 =	vld [tilespmem:s21+$0x130]  }
0xb0: {  	v28 =	vadd.f32 v29, v30;
	v29 =	vmul.f32 v34, v35;
	v34 =	vld [tilespmem:s21+$0xFFFFFE50]  }
0xb1: {  	v6 =	vmul.f32 v7, v6;
	v30 =	vmul.f32 v36, v37;
	v36 =	vld [tilespmem:s22+$0xFFFFFE40]  }
0xb2: {  	[tilespmem:$0x1FEE0] =	vst v0;
	v0 =	vld [tilespmem:s22+$0x40]  }
0xb3: {  	v4 =	vadd.f32 v6, v4;
	v6 =	vld [tilespmem:s21+$0xFFFFFE70]  }
0xb4: {  	v35 =	vld [tilespmem:s22+$0x130]  }
0xb5: {  	v24 =	vadd.f32 v24, v28;
	v28 =	vmul.f32 v44, v45;
	v45 =	vld [tilespmem:s22+$0xFFFFFE00]  }
0xb6: {  	v44 =	vmul.f32 v54, v55;
	v54 =	vmul.f32 v40, v41;
	v41 =	vld [tilespmem:s21+$0xFFFFFE20]  }
0xb7: {  	v47 =	vmul.f32 v46, v47;
	[tilespmem:$0x1FEF0] =	vst v0;
	v0 =	vld [tilespmem:s21+$0xFFFFFE80]  }
0xb8: {  	v10 =	vmul.f32 v13, v10;
	v55 =	vmul.f32 v48, v49;
	v48 =	vld [tilespmem:s21+$0xFFFFFF40]  }
0xb9: {  	v46 =	vmul.f32 v42, v43;
	v30 =	vadd.f32 v30, v32;
	v40 =	vld [tilespmem:s21+$0x170]  }
0xba: {  	v42 =	vmul.f32 v15, v14;
	v4 =	vadd.f32 v10, v4;
	v28 =	vadd.f32 v28, v47;
	v47 =	vld [tilespmem:s21+$0xFFFFFE00]  }
0xbb: {  	v2 =	vmul.f32 v3, v2;
	v24 =	vadd.f32 v25, v24;
	v32 =	vadd.f32 v53, v44;
	v53 =	vld [tilespmem:s21+$0xFFFFFE40]  }
0xbc: {  	v29 =	vadd.f32 v29, v30;
	v4 =	vadd.f32 v42, v4;
	v42 =	vld [tilespmem:s22+$0x1A0];
	v0 =	vmul.f32 v1, v0  }
0xbd: {  	v25 =	vadd.f32 v46, v28;
	v30 =	vadd.f32 v52, v32;
	v52 =	vld [tilespmem:s21+$0xFFFFFF30]  }
0xbe: {  	v8 =	vmul.f32 v9, v8;
	v43 =	vmul.f32 v12, v11;
	v32 =	vld [tilespmem:s22+$0x170];
	v0 =	vadd.f32 v2, v0  }
0xbf: {  	v46 =	vmul.f32 v26, v34;
	v7 =	vadd.f32 v54, v25;
	v3 =	vadd.f32 v55, v30;
	v55 =	vld [tilespmem:s21+$0x20]  }
0xc0: {  	(xrf2) =	vadd.scan.msk.f32 $0xffff, v24;
	v25 =	vld [tilespmem:s21+$0x120];
	v44 =	vmul.f32 v45, v47;
	v47 =	vmul.f32 v36, v53;
	v0 =	vadd.f32 v8, v0  }
0xc1: {  	v45 =	vld [tilespmem:s21+$0xFFFFFF00];
	(xrf2) =	vadd.scan.msk.f32 $0xffff, v7  }
0xc2: {  	v7 =	vadd.f32 v46, v47;
	(xrf2) =	vadd.scan.msk.f32 $0xffff, v3;
	v3 =	vmul.f32 v31, v5;
	v1 =	vld [tilespmem:s21+$0xFFFFFE30];
	v0 =	vadd.f32 v43, v0  }
0xc3: {  	v47 =	vld [tilespmem:$0x1FFE0];
	(xrf2) =	vadd.scan.msk.f32 $0xffff, v4  }
0xc4: {  	v4 =	vld [tilespmem:s21+$0xFFFFFF70];
	(xrf2) =	vadd.scan.msk.f32 $0xffff, v0;
	v0 =	vadd.f32 v3, v7;
	v3 =	vmul.f32 v17, v6  }
0xc5: {  	v22 =	vmul.f32 v33, v22;
	v49 =	vmul.f32 v27, v41;
	v10 =	vadd.f32 v23, v44;
	v39 =	vld [tilespmem:$0x1FF90]  }
0xc6: {  	v54 =	vmul.f32 v59, v60;
	v44 =	vld [tilespmem:$0x1FFC0];
	v0 =	vadd.f32 v3, v0;
	v3 =	vmul.f32 v61, v48  }
0xc7: {  	v5 =	vadd.f32 v49, v10;
	v26 =	vld [tilespmem:$0x1FF10];
	v1 =	vmul.f32 v16, v1  }
0xc8: {  	v53 =	vadd.f32 v22, v29;
	v27 =	vld [tilespmem:$0x1FF20];
	v8 =	vmul.f32 v57, v51;
	v3 =	vadd.f32 v54, v3  }
0xc9: {  	v2 =	vld [tilespmem:s22+$0xFFFFFF00];
	v1 =	vadd.f32 v1, v5  }
0xca: {  	v4 =	vmul.f32 v21, v4;
	v6 =	vmul.f32 v62, v63;
	v62 =	vld [tilespmem:$0x1FEE0];
	(xrf2) =	vadd.scan.msk.f32 $0xffff, v53;
	v3 =	vadd.f32 v8, v3  }
0xcb: {  	(xrf2) =	vadd.scan.msk.f32 $0xffff, v1;
	v1 =	vld [tilespmem:s21+$0x40]  }
0xcc: {  	v3 =	vadd.f32 v4, v3;
	v4 =	vld [tilespmem:$0x1FEF0]  }
0xcd: {  	v29 =	vld [tilespmem:$0x1FF30]  }
0xce: {  	(xrf2) =	vadd.scan.msk.f32 $0xffff, v0;
	v0 =	vld [tilespmem:s21+$0x60]  }
0xcf: {  	v33 =	vld [tilespmem:$0x1FF50]  }
0xd0: {  	v34 =	vld [tilespmem:$0x1FF60];
	v2 =	vmul.f32 v2, v45  }
0xd1: {  	v36 =	vld [tilespmem:$0x1FF80];
	v15 =	vmul.f32 v62, v18;
	v1 =	vmul.f32 v4, v1  }
0xd2: {  	v5 =	vld [tilespmem:s22+$0x0];
	v2 =	vadd.f32 v6, v2  }
0xd3: {  	v7 =	vld [tilespmem:s21+$0x0];
	v6 =	vmul.f32 v58, v50;
	v0 =	vmul.f32 v29, v0;
	v1 =	vadd.f32 v15, v1  }
0xd4: {  	v24 =	vld [tilespmem:$0x1FF00]  }
0xd5: {  	v2 =	vadd.f32 v6, v2;
	v6 =	vmul.f32 v56, v52;
	v0 =	vadd.f32 v0, v1;
	v1 =	vld [tilespmem:$0x1FF70]  }
0xd6: {  	v30 =	vld [tilespmem:$0x1FF40]  }
0xd7: {  	s25 =	simm.s32 $0x0;
	v10, _, _ =	vpop (xrf2);
	v57 =	vld [tilespmem:s21+$0x30];
	v2 =	vadd.f32 v6, v2  }
0xd8: {  	v59, _, _ =	vpop (xrf2);
	v58 =	vld [tilespmem:s25+$0x10600];
	v61 =	vmul.f32 v19, v20;
	v5 =	vmul.f32 v5, v7  }
0xd9: {  	v60, _, _ =	vpop (xrf2);
	v6 =	vld [tilespmem:s25+$0x10400];
	(xrf2) =	vadd.scan.msk.f32 $0xffff, v2  }
0xda: {  	v11 =	vmul.f32 v24, v55;
	v63, _, _ =	vpop (xrf2);
	v7 =	vld [tilespmem:s21+$0x100];
	v5 =	vadd.f32 v61, v5;
	v1 =	vmul.f32 v36, v1  }
0xdb: {  	v2 =	vld [tilespmem:s21+$0x140];
	(xrf2) =	vadd.scan.msk.f32 $0xffff, v3;
	v4, _, _ =	vpop (xrf2)  }
0xdc: {  	v9 =	vmul.f32 v30, v57;
	v5 =	vadd.f32 v11, v5;
	v28, _, _ =	vpop (xrf2);
	v0 =	vadd.f32 v1, v0;
	v1 =	vld [tilespmem:$0x1FFA0]  }
0xdd: {  	v12 =	vmul.f32 v35, v38;
	v43 =	vld [tilespmem:$0x1FFB0];
	v17 =	vmul.f32 v26, v27;
	v31, _, _ =	vpop (xrf2)  }
0xde: {  	v3 =	vld [tilespmem:s21+$0x160];
	v6 =	vadd.f32 v58, v6;
	v5 =	vadd.f32 v9, v5;
	v11 =	vbroadcast v31, $0xF  }
0xdf: {  	v49 =	vld [tilespmem:s22+$0x1B0];
	v19 =	vmul.f32 v33, v34;
	v7 =	vmul.f32 v39, v7;
	v37, _, _ =	vpop (xrf2)  }
0xe0: {  	v41 =	vbroadcast v63, $0xF;
	v52 =	vld [tilespmem:$0x1FFF0];
	(xrf2) =	vadd.scan.msk.f32 $0xffff, v5;
	v9 =	vbroadcast v37, $0xF;
	v11 =	vadd.f32 v11, v6  }
0xe1: {  	v5 =	vadd.f32 v19, v7;
	v1 =	vmul.f32 v1, v2;
	v2 =	vbroadcast v4, $0xF;
	v4 =	vld [tilespmem:s21+$0x180]  }
0xe2: {  	v55 =	vld [tilespmem:s22+$0x1C0];
	v7 =	vsel vm0, v11, v6;
	v6 =	vadd.f32 v9, v6;
	v9 =	vmul.f32 v44, v25  }
0xe3: {  	v3 =	vmul.f32 v43, v3;
	v46, _, _ =	vpop (xrf2);
	(xrf2) =	vadd.scan.msk.f32 $0xffff, v0;
	v1 =	vadd.f32 v17, v1;
	v0 =	vadd.f32 v2, v7;
	v2 =	vld [tilespmem:$0x1FFD0]  }
0xe4: {  	v45 =	vld [tilespmem:s21+$0x1A0];
	v6 =	vsel vm1, v7, v6;
	v5 =	vadd.f32 v9, v5;
	v7 =	vbroadcast v46, $0xF  }
0xe5: {  	v51 =	vld [tilespmem:s21+$0x1B0];
	v50, _, _ =	vpop (xrf2);
	v11 =	vadd.f32 v41, v6;
	v0 =	vsel vm2, v6, v0;
	v1 =	vadd.f32 v3, v1  }
0xe6: {  	v53 =	vld [tilespmem:s21+$0x1C0];
	v3 =	vadd.f32 v7, v6;
	v6 =	vbroadcast v50, $0xF;
	v4 =	vmul.f32 v52, v4  }
0xe7: {  	v13 =	vbroadcast v59, $0xF;
	v48 =	vld [tilespmem:s21+$0x1D0];
	v8 =	vbroadcast v60, $0xF;
	v0 =	vsel vm3, v0, v11  }
0xe8: {  	v5 =	vadd.f32 v12, v5;
	v7 =	vld [tilespmem:s22+$0x1D0];
	v6 =	vadd.f32 v6, v0;
	v2 =	vmul.f32 v47, v2  }
0xe9: {  	v59 =	vld [tilespmem:s21+$0x1F0];
	v54 =	vmul.f32 v32, v40;
	v0 =	vsel vm4, v0, v3;
	v3 =	vmul.f32 v42, v45  }
0xea: {  	v56 =	vld [tilespmem:s21+$0x1E0];
	(xrf2) =	vadd.scan.msk.f32 $0xffff, v5;
	v5 =	vsel vm5, v0, v6;
	v0 =	vadd.f32 v8, v0;
	v2 =	vadd.f32 v2, v4;
	v4, _, _ =	vpop (xrf2)  }
0xeb: {  	v1 =	vadd.f32 v54, v1;
	v6 =	vld [tilespmem:s22+$0x1E0];
	v57 =	vadd.f32 v13, v5;
	v4 =	vbroadcast v4, $0xF  }
0xec: {  	v58 =	vld [tilespmem:s22+$0x1F0];
	v0 =	vsel vm6, v5, v0;
	v2 =	vadd.f32 v3, v2;
	v3 =	vmul.f32 v49, v51  }
0xed: {  	v60, _, _ =	vpop (xrf2);
	(xrf2) =	vadd.scan.msk.f32 $0xffff, v1;
	v4 =	vadd.f32 v4, v5;
	v5 =	vmul.f32 v7, v48;
	v7 =	vmul.f32 v55, v53  }
0xee: {  	v61 =	vbroadcast v60, $0xF;
	v2 =	vadd.f32 v3, v2  }
0xef: {  	v62 =	vbroadcast v28, $0xF;
	v0 =	vsel vm7, v0, v57;
	v3 =	vadd.f32 v5, v7  }
0xf0: {  	v5 =	vmul.f32 v6, v56;
	v4 =	vsel vm8, v0, v4;
	v0 =	vadd.f32 v61, v0;
	(xrf2) =	vadd.scan.msk.f32 $0xffff, v2  }
0xf1: {  	v63 =	vmul.f32 v58, v59;
	v6 =	vbroadcast v10, $0xF  }
0xf2: {  	v7 =	vadd.f32 v62, v4;
	v5 =	vadd.f32 v5, v3;
	v0 =	vsel vm9, v4, v0  }
0xf3: {  	v2 =	vadd.f32 v6, v0  }
0xf4: {  	s23 =	simm.s32 $0x40;
	v1, _, _ =	vpop (xrf2);
	v3 =	vsel vm10, v0, v7;
	v4 =	vadd.f32 v63, v5  }
.LBB2_2:
0xf5: {  	p0 =	sne.s32 s23, $0x7C0;
	v2 =	vsel vm11, v3, v2;
	s21 =	sadd.s32 $0x400, s21;
	s22 =	sadd.s32 $0x400, s22  }
0xf6: {  	s28 =	smov.u32 s23;
	s23 =	sadd.s32 $0x40, s23;
	(xrf2) =	vadd.scan.msk.f32 $0xffff, v4  }
0xf7: {  	v3, _, _ =	vpop (xrf2);
	_ =	sdelay $0x2  }
0xf8: {  	v1 =	vbroadcast v1, $0xF;
	v4, _, _ =	vpop (xrf2)  }
0xf9: {  	v3 =	vbroadcast v3, $0xF;
	v4 =	vbroadcast v4, $0xF  }
0xfa: {  	v0 =	vadd.f32 v1, v0  }
0xfb: {  	v1 =	vadd.f32 v3, v2  }
0xfc: {  	v0 =	vsel vm12, v2, v0  }
0xfd: {  	v1 =	vsel vm13, v0, v1;
	v0 =	vadd.f32 v4, v0  }
0xfe: {  	v2, _, _ =	vpop (xrf2)  }
0xff: {  	v0 =	vsel vm14, v1, v0;
	v1 =	vadd.f32 v2, v1;
	_ =	sdelay $0x1  }
0x100: {  	v0 =	vsel vm15, v0, v1  }
0x101: {  	[tilespmem:s25+$0x10800] =	vst v0  }
0x102: {  	v2 =	vld [tilespmem:s21+$0x190]  }
0x103: {  	v3 =	vld [tilespmem:s22+$0x190]  }
0x104: {  	v0 =	vld [tilespmem:s21+$0x1E0]  }
0x105: {  	v1 =	vld [tilespmem:s22+$0x180]  }
0x106: {  	v7 =	vld [tilespmem:s21+$0xFFFFFE10]  }
0x107: {  	v6 =	vld [tilespmem:s22+$0x100]  }
0x108: {  	v8 =	vld [tilespmem:s21+$0x70]  }
0x109: {  	v5 =	vld [tilespmem:s22+$0x160]  }
0x10a: {  	v9 =	vld [tilespmem:s22+$0xFFFFFE10]  }
0x10b: {  	v4 =	vld [tilespmem:s22+$0x120]  }
0x10c: {  	v10 =	vld [tilespmem:s21+$0xB0]  }
0x10d: {  	v14 =	vld [tilespmem:s22+$0xF0]  }
0x10e: {  	v11 =	vld [tilespmem:s22+$0x150]  }
0x10f: {  	v16 =	vmul.f32 v9, v7;
	v7 =	vld [tilespmem:s21+$0x150]  }
0x110: {  	v9 =	vld [tilespmem:s22+$0x140]  }
0x111: {  	v12 =	vld [tilespmem:s22+$0x110]  }
0x112: {  	v13 =	vld [tilespmem:s21+$0x110]  }
0x113: {  	v15 =	vld [tilespmem:s21+$0xF0]  }
0x114: {  	v17 =	vld [tilespmem:s22+$0xE0];
	v7 =	vmul.f32 v11, v7  }
0x115: {  	v18 =	vld [tilespmem:s21+$0xE0]  }
0x116: {  	v19 =	vld [tilespmem:s22+$0xD0]  }
0x117: {  	v20 =	vld [tilespmem:s21+$0xD0];
	v11 =	vmul.f32 v12, v13  }
0x118: {  	v13 =	vld [tilespmem:s22+$0xC0]  }
0x119: {  	v21 =	vld [tilespmem:s21+$0xC0]  }
0x11a: {  	v12 =	vld [tilespmem:s22+$0x70];
	v17 =	vmul.f32 v17, v18  }
0x11b: {  	v18 =	vld [tilespmem:s22+$0xB0]  }
0x11c: {  	v22 =	vld [tilespmem:s22+$0xA0];
	v19 =	vmul.f32 v19, v20  }
0x11d: {  	v20 =	vld [tilespmem:s21+$0xA0]  }
0x11e: {  	v23 =	vld [tilespmem:s22+$0x90];
	v13 =	vmul.f32 v13, v21  }
0x11f: {  	v21 =	vld [tilespmem:s21+$0x90]  }
0x120: {  	v24 =	vld [tilespmem:s22+$0x80];
	v19 =	vadd.f32 v19, v13  }
0x121: {  	v25 =	vld [tilespmem:s21+$0x80]  }
0x122: {  	v13 =	vld [tilespmem:s22+$0x30];
	v20 =	vmul.f32 v22, v20;
	v17 =	vadd.f32 v17, v19;
	v19 =	vmul.f32 v14, v15  }
0x123: {  	v14 =	vld [tilespmem:s22+$0x60]  }
0x124: {  	v15 =	vld [tilespmem:s22+$0x20];
	v21 =	vmul.f32 v23, v21;
	v17 =	vadd.f32 v19, v17  }
0x125: {  	v19 =	vld [tilespmem:s22+$0x50]  }
0x126: {  	v22 =	vld [tilespmem:s21+$0x50];
	v23 =	vmul.f32 v24, v25;
	(xrf2) =	vadd.scan.msk.f32 $0xffff, v17  }
0x127: {  	v17 =	vld [tilespmem:s22+$0x40]  }
0x128: {  	v24 =	vld [tilespmem:s22+$0x10];
	v21 =	vadd.f32 v21, v23  }
0x129: {  	v25 =	vld [tilespmem:s21+$0x10]  }
0x12a: {  	v10 =	vmul.f32 v18, v10;
	v26 =	vld [tilespmem:s22+$0xFFFFFFF0];
	v20 =	vadd.f32 v20, v21  }
0x12b: {  	v21 =	vld [tilespmem:s21+$0xFFFFFFF0];
	v18 =	vmul.f32 v19, v22  }
0x12c: {  	v19 =	vld [tilespmem:s22+$0xFFFFFFE0];
	v23 =	vadd.f32 v10, v20  }
0x12d: {  	v22 =	vld [tilespmem:s21+$0xFFFFFFE0]  }
0x12e: {  	v27 =	vld [tilespmem:s22+$0xFFFFFFD0];
	v20 =	vmul.f32 v24, v25  }
0x12f: {  	v24 =	vld [tilespmem:s21+$0xFFFFFFD0]  }
0x130: {  	v25 =	vld [tilespmem:s22+$0xFFFFFFC0];
	v26 =	vmul.f32 v26, v21;
	v10, _, _ =	vpop (xrf2)  }
0x131: {  	v28 =	vld [tilespmem:s21+$0xFFFFFFC0]  }
0x132: {  	v21 =	vld [tilespmem:s22+$0xFFFFFF70];
	v19 =	vmul.f32 v19, v22  }
0x133: {  	v22 =	vld [tilespmem:s22+$0xFFFFFFB0]  }
0x134: {  	v29 =	vld [tilespmem:s21+$0xFFFFFFB0];
	v24 =	vmul.f32 v27, v24  }
0x135: {  	v27 =	vld [tilespmem:s22+$0xFFFFFFA0]  }
0x136: {  	v30 =	vld [tilespmem:s21+$0xFFFFFFA0];
	v25 =	vmul.f32 v25, v28  }
0x137: {  	v28 =	vld [tilespmem:s22+$0xFFFFFF90]  }
0x138: {  	v31 =	vld [tilespmem:s21+$0xFFFFFF90];
	v24 =	vadd.f32 v24, v25  }
0x139: {  	v32 =	vld [tilespmem:s22+$0xFFFFFF80];
	v22 =	vmul.f32 v22, v29  }
0x13a: {  	v29 =	vld [tilespmem:s21+$0xFFFFFF80];
	v19 =	vadd.f32 v19, v24  }
0x13b: {  	v24 =	vld [tilespmem:s22+$0xFFFFFF30];
	v27 =	vmul.f32 v27, v30  }
0x13c: {  	v25 =	vld [tilespmem:s22+$0xFFFFFF60];
	v19 =	vadd.f32 v26, v19  }
0x13d: {  	v26 =	vld [tilespmem:s22+$0xFFFFFF20];
	v28 =	vmul.f32 v28, v31  }
0x13e: {  	v30 =	vld [tilespmem:s22+$0xFFFFFF50];
	(xrf2) =	vadd.scan.msk.f32 $0xffff, v19  }
0x13f: {  	v19 =	vld [tilespmem:s21+$0xFFFFFF50];
	v29 =	vmul.f32 v32, v29  }
0x140: {  	v31 =	vld [tilespmem:s22+$0xFFFFFF40]  }
0x141: {  	v32 =	vld [tilespmem:s22+$0xFFFFFF10];
	v28 =	vadd.f32 v28, v29  }
0x142: {  	v29 =	vld [tilespmem:s21+$0xFFFFFF10]  }
0x143: {  	v33 =	vld [tilespmem:s22+$0xFFFFFEF0];
	v27 =	vadd.f32 v27, v28  }
0x144: {  	v28 =	vld [tilespmem:s21+$0xFFFFFEF0];
	v30 =	vmul.f32 v30, v19  }
0x145: {  	v34 =	vld [tilespmem:s22+$0xFFFFFEE0];
	v35 =	vadd.f32 v22, v27  }
0x146: {  	v22 =	vld [tilespmem:s21+$0xFFFFFEE0]  }
0x147: {  	v27 =	vld [tilespmem:s22+$0xFFFFFED0];
	v29 =	vmul.f32 v32, v29;
	(xrf2) =	vadd.scan.msk.f32 $0xffff, v35  }
0x148: {  	v32 =	vld [tilespmem:s21+$0xFFFFFED0];
	v19, _, _ =	vpop (xrf2)  }
0x149: {  	v35 =	vld [tilespmem:s22+$0xFFFFFEC0];
	v28 =	vmul.f32 v33, v28  }
0x14a: {  	v33 =	vld [tilespmem:s21+$0xFFFFFEC0]  }
0x14b: {  	v36 =	vld [tilespmem:s22+$0xFFFFFE70];
	v34 =	vmul.f32 v34, v22  }
0x14c: {  	v37 =	vld [tilespmem:s22+$0xFFFFFEB0]  }
0x14d: {  	v38 =	vld [tilespmem:s21+$0xFFFFFEB0];
	v22 =	vmul.f32 v27, v32  }
0x14e: {  	v27 =	vld [tilespmem:s22+$0xFFFFFEA0]  }
0x14f: {  	v32 =	vld [tilespmem:s21+$0xFFFFFEA0];
	v33 =	vmul.f32 v35, v33  }
0x150: {  	v35 =	vld [tilespmem:s22+$0xFFFFFE90]  }
0x151: {  	v39 =	vld [tilespmem:s21+$0xFFFFFE90];
	v33 =	vadd.f32 v22, v33;
	v22, _, _ =	vpop (xrf2)  }
0x152: {  	v40 =	vld [tilespmem:s22+$0xFFFFFE80];
	v37 =	vmul.f32 v37, v38  }
0x153: {  	v38 =	vld [tilespmem:s21+$0xFFFFFE80];
	v33 =	vadd.f32 v34, v33  }
0x154: {  	v34 =	vld [tilespmem:s22+$0xFFFFFE30];
	v27 =	vmul.f32 v27, v32  }
0x155: {  	v32 =	vld [tilespmem:s22+$0xFFFFFE60];
	v28 =	vadd.f32 v28, v33  }
0x156: {  	v33 =	vld [tilespmem:s22+$0xFFFFFE20];
	v35 =	vmul.f32 v35, v39  }
0x157: {  	v39 =	vld [tilespmem:s22+$0xFFFFFE50];
	(xrf2) =	vadd.scan.msk.f32 $0xffff, v28  }
0x158: {  	v28 =	vld [tilespmem:s21+$0xFFFFFE50];
	v38 =	vmul.f32 v40, v38  }
0x159: {  	v40 =	vld [tilespmem:s22+$0xFFFFFE40]  }
0x15a: {  	v41 =	vld [tilespmem:s22+$0xFFFFFE00];
	v35 =	vadd.f32 v35, v38  }
0x15b: {  	v38 =	vld [tilespmem:s21+$0xFFFFFE00]  }
0x15c: {  	v42 =	vld [tilespmem:s21+$0xFFFFFE40];
	v27 =	vadd.f32 v27, v35  }
0x15d: {  	v35 =	vld [tilespmem:s21+$0xFFFFFE20];
	v28 =	vmul.f32 v39, v28  }
0x15e: {  	v39 =	vld [tilespmem:s21+$0xFFFFFE60];
	v27 =	vadd.f32 v37, v27  }
0x15f: {  	v37 =	vld [tilespmem:s21+$0xFFFFFE30]  }
0x160: {  	v38 =	vmul.f32 v41, v38;
	v41 =	vld [tilespmem:s21+$0xFFFFFE70];
	(xrf2) =	vadd.scan.msk.f32 $0xffff, v27  }
0x161: {  	v27 =	vmul.f32 v40, v42;
	v40 =	vld [tilespmem:s22+$0xFFFFFF00];
	v42, _, _ =	vpop (xrf2)  }
0x162: {  	v16 =	vadd.f32 v16, v38;
	v33 =	vmul.f32 v33, v35;
	v35 =	vld [tilespmem:s21+$0xFFFFFF00]  }
0x163: {  	v27 =	vadd.f32 v28, v27;
	v28 =	vmul.f32 v32, v39;
	v32 =	vld [tilespmem:s21+$0xFFFFFF40]  }
0x164: {  	v16 =	vadd.f32 v33, v16;
	v33 =	vmul.f32 v34, v37;
	v34 =	vld [tilespmem:s21+$0xFFFFFF20]  }
0x165: {  	v27 =	vadd.f32 v28, v27;
	v28 =	vmul.f32 v36, v41;
	v36 =	vld [tilespmem:s21+$0xFFFFFF60];
	(xrf2) =	vadd.scan.msk.f32 $0xffff, v23  }
0x166: {  	v16 =	vadd.f32 v33, v16;
	v23 =	vld [tilespmem:s21+$0xFFFFFF30]  }
0x167: {  	v27 =	vadd.f32 v28, v27;
	v28 =	vmul.f32 v40, v35;
	v33 =	vld [tilespmem:s21+$0xFFFFFF70]  }
0x168: {  	v35 =	vmul.f32 v31, v32;
	v32 =	vld [tilespmem:s22+$0x0];
	(xrf2) =	vadd.scan.msk.f32 $0xffff, v16  }
0x169: {  	v16 =	vadd.f32 v29, v28;
	v26 =	vmul.f32 v26, v34;
	v28 =	vld [tilespmem:s21+$0x0]  }
0x16a: {  	v29 =	vadd.f32 v30, v35;
	v25 =	vmul.f32 v25, v36;
	v30 =	vld [tilespmem:s21+$0x40];
	v31, _, _ =	vpop (xrf2)  }
0x16b: {  	v16 =	vadd.f32 v26, v16;
	v23 =	vmul.f32 v24, v23;
	v24 =	vld [tilespmem:s21+$0x20];
	(xrf2) =	vadd.scan.msk.f32 $0xffff, v27  }
0x16c: {  	v25 =	vadd.f32 v25, v29;
	v21 =	vmul.f32 v21, v33;
	v26 =	vld [tilespmem:s21+$0x60]  }
0x16d: {  	s25 =	sshra.s32 s28, $0x2;
	v29 =	vadd.f32 v23, v16;
	v23 =	vld [tilespmem:s21+$0x30]  }
0x16e: {  	v27 =	vld [tilespmem:s25+$0x10600];
	v21 =	vadd.f32 v21, v25;
	v25 =	vmul.f32 v32, v28  }
0x16f: {  	v28 =	vld [tilespmem:s25+$0x10400];
	v17 =	vmul.f32 v17, v30;
	(xrf2) =	vadd.scan.msk.f32 $0xffff, v29;
	v16, _, _ =	vpop (xrf2)  }
0x170: {  	v20 =	vadd.f32 v20, v25;
	v15 =	vmul.f32 v15, v24;
	v24 =	vld [tilespmem:s21+$0x100]  }
0x171: {  	v17 =	vadd.f32 v18, v17;
	v14 =	vmul.f32 v14, v26;
	v18 =	vld [tilespmem:s21+$0x140]  }
0x172: {  	v15 =	vadd.f32 v15, v20;
	v13 =	vmul.f32 v13, v23;
	v20 =	vld [tilespmem:s21+$0x120];
	v23, _, _ =	vpop (xrf2);
	(xrf2) =	vadd.scan.msk.f32 $0xffff, v21  }
0x173: {  	v8 =	vmul.f32 v12, v8;
	v21 =	vbroadcast v23, $0xF;
	v14 =	vadd.f32 v14, v17;
	v12 =	vld [tilespmem:s21+$0x160]  }
0x174: {  	v17 =	vadd.f32 v27, v28;
	v13 =	vadd.f32 v13, v15;
	v15 =	vld [tilespmem:s22+$0x170]  }
0x175: {  	v8 =	vadd.f32 v8, v14;
	v6 =	vmul.f32 v6, v24;
	v14 =	vld [tilespmem:s22+$0x130];
	v23, _, _ =	vpop (xrf2)  }
0x176: {  	v21 =	vadd.f32 v21, v17;
	v23 =	vbroadcast v23, $0xF;
	v24 =	vld [tilespmem:s21+$0x130];
	v9 =	vmul.f32 v9, v18;
	(xrf2) =	vadd.scan.msk.f32 $0xffff, v13  }
0x177: {  	v13 =	vbroadcast v31, $0xF;
	v6 =	vadd.f32 v11, v6;
	v11 =	vld [tilespmem:s21+$0x170]  }
0x178: {  	v18 =	vsel vm0, v21, v17;
	v21 =	vbroadcast v42, $0xF;
	v5 =	vmul.f32 v5, v12;
	v12 =	vld [tilespmem:s21+$0x180]  }
0x179: {  	v4 =	vmul.f32 v4, v20;
	v17 =	vadd.f32 v23, v17;
	v7 =	vadd.f32 v7, v9;
	v9 =	vld [tilespmem:s22+$0x1A0];
	v20, _, _ =	vpop (xrf2);
	(xrf2) =	vadd.scan.msk.f32 $0xffff, v8  }
0x17a: {  	v2 =	vmul.f32 v3, v2;
	v8 =	vadd.f32 v13, v18;
	v3 =	vld [tilespmem:s21+$0x1A0]  }
0x17b: {  	v4 =	vadd.f32 v4, v6;
	v13 =	vsel vm1, v18, v17;
	v17 =	vbroadcast v20, $0xF  }
0x17c: {  	v5 =	vadd.f32 v5, v7;
	v6 =	vsel vm2, v13, v8;
	v8 =	vadd.f32 v21, v13;
	v7 =	vld [tilespmem:s21+$0x1D0];
	v18, _, _ =	vpop (xrf2)  }
0x17d: {  	v13 =	vadd.f32 v17, v13;
	v17 =	vbroadcast v18, $0xF;
	v1 =	vmul.f32 v1, v12;
	v12 =	vld [tilespmem:s22+$0x1B0]  }
0x17e: {  	v11 =	vmul.f32 v15, v11;
	v6 =	vsel vm3, v6, v8;
	v8 =	vbroadcast v22, $0xF;
	v15 =	vld [tilespmem:s21+$0x1B0]  }
0x17f: {  	v14 =	vmul.f32 v14, v24;
	v18 =	vbroadcast v19, $0xF;
	v17 =	vadd.f32 v17, v6;
	v19 =	vld [tilespmem:s22+$0x1D0]  }
0x180: {  	v6 =	vsel vm4, v6, v13;
	v1 =	vadd.f32 v2, v1;
	v2 =	vmul.f32 v9, v3;
	v3, _, _ =	vpop (xrf2)  }
0x181: {  	v4 =	vadd.f32 v14, v4;
	v9 =	vsel vm5, v6, v17;
	v6 =	vadd.f32 v8, v6;
	v8 =	vld [tilespmem:s21+$0x1C0]  }
0x182: {  	v5 =	vadd.f32 v11, v5;
	v3 =	vbroadcast v3, $0xF;
	v13 =	vadd.f32 v18, v9;
	v11 =	vld [tilespmem:s22+$0x1C0]  }
0x183: {  	v1 =	vadd.f32 v2, v1;
	v6 =	vsel vm6, v9, v6;
	v2 =	vmul.f32 v12, v15;
	v12, _, _ =	vpop (xrf2);
	(xrf2) =	vadd.scan.msk.f32 $0xffff, v4  }
0x184: {  	v3 =	vadd.f32 v3, v9;
	v4 =	vbroadcast v12, $0xF;
	v7 =	vmul.f32 v19, v7;
	v9 =	vld [tilespmem:s22+$0x1E0]  }
0x185: {  	v6 =	vsel vm7, v6, v13;
	v12 =	vbroadcast v16, $0xF;
	v1 =	vadd.f32 v2, v1;
	v2 =	vld [tilespmem:s22+$0x1F0]  }
0x186: {  	v3 =	vsel vm8, v6, v3;
	v4 =	vadd.f32 v4, v6;
	v6 =	vbroadcast v10, $0xF;
	v10 =	vld [tilespmem:s21+$0x1F0];
	(xrf2) =	vadd.scan.msk.f32 $0xffff, v5  }
0x187: {  	v5 =	vadd.f32 v12, v3;
	v8 =	vmul.f32 v11, v8;
	_ =	sdelay $0x1  }
.Ltmp0:
0x188: {  	v7 =	vadd.f32 v7, v8;
	v8 =	vmul.f32 v9, v0;
	(xrf2) =	vadd.scan.msk.f32 $0xffff, v1;
	(pc) =	sbr.rel @p0 .LBB2_2-.Ltmp0, $4  }
0x189: {  	_ = 	snop  }
0x18a: {  	v0 =	vsel vm9, v3, v4;
	v7 =	vadd.f32 v8, v7;
	v4 =	vmul.f32 v2, v10  }
0x18b: {  	v2 =	vadd.f32 v6, v0  }
0x18c: {  	v3 =	vsel vm10, v0, v5;
	v4 =	vadd.f32 v4, v7;
	v1, _, _ =	vpop (xrf2)  }
0x18d: {  	_ = 	snop  }
0x18e: {  	(xrf2) =	vadd.scan.msk.f32 $0xffff, v4;
	_ =	sdelay $0x4  }
0x18f: {  	v1 =	vbroadcast v1, $0xF;
	v59, _, _ =	vpop (xrf2)  }
0x190: {  	v4 =	vbroadcast v59, $0xF  }
0x191: {  	v2 =	vsel vm11, v3, v2;
	v0 =	vadd.f32 v1, v0;
	v60, _, _ =	vpop (xrf2)  }
0x192: {  	v62 =	vadd.f32 v4, v2;
	v61 =	vbroadcast v60, $0xF  }
0x193: {  	v0 =	vsel vm12, v2, v0  }
0x194: {  	v2 =	vsel vm13, v0, v62;
	v0 =	vadd.f32 v61, v0;
	v63, _, _ =	vpop (xrf2)  }
0x195: {  	v1 =	vadd.f32 v63, v2  }
0x196: {  	s19 =	sadd.s32 $0x1, s19;
	v0 =	vsel vm14, v2, v0  }
0x197: {  	p0 =	sne.s32 s19, s10;
	v0 =	vsel vm15, v0, v1  }
.Ltmp1:
0x198: {  	[tilespmem:s25+$0x10800] =	vst v0;
	(pc) =	sbr.rel @p0 .LBB2_1-.Ltmp1, $4  }
0x199: {  	[hbm4b:s9+s2] =	stream.linear.scatter [tilespmem:s18], [sflag:$0x2], $0x200, $0x38;
	[tilespmem:$0x10A00] =	vst v63  }
0x19a: {  	_ =	swait.ge [sflag:s11], $0x200  }
0x19b: {  	[sflag:s11] =	ssyncset.done $0x0  }
0x19c: {  	[sflag:s11] =	ssyncadd.s32 $0xFFFFFE00  }
0x19d: {  	_ =	sfence.sel $0x180000  }
0x19e: {  	[bflag:$0x0] =	sbarrier.arrive $0xFFFF  }
0x19f: {  	_ =	strace $0x90000047  }
0x1a0: {  	s0 =	stileid.u32;
	[bflag:$0x2] =	sbarrier.arrive $0xFFFF  }
0x1a1: {  	p0 =	sne.s32 s0, $0x0;
	s0 =	rddreg [dreg:$0x4]  }
0x1a2: {  	s0 =	sadd.s32 @!p0 $0x100000, s0  }
0x1a3: {  	[sflag:s0] =	ssyncadd.tile.s32 @!p0 $0x1;
	_ =	shalt  }
.Lfunc_end2:
_tile_overlayer_lowered:
.L_overlay_start_2:
0x1a4: {  	(tag) =	ssettag $0x2  }
0x1a5: {  	s0 =	rddreg [dreg:$0x0];
	s2 =	stileid.u32  }
0x1a6: {  	s1 =	rddreg [dreg:$0x1];
	p0 =	sne.s32 s2, $0x0  }
0x1a7: {  	s3 =	rddreg [dreg:$0x2];
	[bflag:$0x3] =	sbarrier.arrive $0xFFFF;
	s2 =	simm.s32 @!p0 $0x1C02  }
0x1a8: {  	[timem:s3], [sflag:s2] =	dma.local @!p0 [hbm:s0], s1  }
0x1a9: {  	s0 =	simm.s32 @!p0 $0x2  }
0x1aa: {  	_ =	swait.ge @!p0 [sflag:s0], s1  }
0x1ab: {  	s1 =	ssub.s32 @!p0 $0x0, s1;
	[sflag:s0] =	ssyncset.done @!p0 $0x0  }
0x1ac: {  	[sflag:s0] =	ssyncadd.s32 @!p0 s1  }
0x1ad: {  	[bflag:$0x3] =	sbarrier.arrive $0xFFFF  }
0x1ae: {  	_ =	shalt  }

</sc_bundles>
